<compile_context>
chip_gen: v7x
topology: tpu7x:2x2x1
jax: 0.10.2.dev20260603
libtpu: 0.0.44.dev20260713+nightly
codegen_flags: <defaults>
</compile_context>

<pallas_src>
import jax
import jax.numpy as jnp
from jax.experimental import pallas as pl
from jax.experimental.pallas import tpu as pltpu
from jax.experimental.pallas import tpu_sc as plsc


_LANES = 16
_BR = 4


def _sc_pos_add(x, pos_emb):
    b, t, c = x.shape
    mesh = plsc.VectorSubcoreMesh(core_axis_name="c", subcore_axis_name="s")

    @pl.kernel(out_type=jax.ShapeDtypeStruct((b, t, c), x.dtype), mesh=mesh)
    def run(x_hbm, pe_hbm, o_hbm):
        def body(x_vmem, pe_vmem, o_vmem):
            @pl.loop(0, b)
            def _(bb):
                @pl.loop(0, _BR)
                def _(r):
                    @pl.loop(0, c, step=_LANES)
                    def _(cc):
                        xs = (pl.ds(bb, 1), pl.ds(r, 1), pl.ds(cc, _LANES))
                        ps = (pl.ds(r, 1), pl.ds(cc, _LANES))
                        o_vmem.at[*xs][...] = (
                            x_vmem.at[*xs][...]
                            + pe_vmem.at[*ps][...].reshape(1, 1, _LANES)
                        )

        pltpu.emit_pipeline(
            body,
            grid=(t // _BR,),
            in_specs=[
                pl.BlockSpec((b, _BR, c), lambda i: (0, i, 0)),
                pl.BlockSpec((_BR, c), lambda i: (i, 0)),
            ],
            out_specs=[pl.BlockSpec((b, _BR, c), lambda i: (0, i, 0))],
            core_axis_name=("c", "s"),
            dimension_semantics=(pltpu.PARALLEL,),
        )(x_hbm, pe_hbm, o_hbm)

    return run(x, pos_emb)


def kernel(x, pos_emb):
    return _sc_pos_add(x, pos_emb)

# --- scband reference (transcript-rebuilt; emitter-appended) ---
"""Pipeline reference for scband-learned-positional-encoding-17952963297351 (READ-ONLY COPY).

The authoritative reference and input builder live on the scoring server;
editing this copy changes nothing except your own understanding.
"""

import jax, jax.numpy as jnp
import numpy as np

D_MODEL = 1024
MAX_LEN = 8192
B, T = 4, 4096

def setup_inputs(seed: int = 0) -> dict:
    key = jax.random.key(seed)
    k1, k2 = jax.random.split(key)
    x = jax.random.normal(k1, (B, T, D_MODEL), dtype=jnp.float32)
    pos_emb = jax.random.normal(k2, (MAX_LEN, D_MODEL), dtype=jnp.float32) * 0.02
    return {"x": x, "pos_emb": pos_emb}

def reference(x, pos_emb):
    b, t, c = x.shape
    pos = jnp.arange(t)  # [T]
    pos = jnp.broadcast_to(pos[None, :], (b, t))  # [B, T]
    pe = jnp.take(pos_emb, pos, axis=0)  # [B, T, C] gather from embedding table
    # Dropout is identity at inference (deterministic reference).
    return x + pe

if __name__ == "__main__":
    import jax
    _d = setup_inputs()
    print(jax.jit(kernel)(*tuple(_d.values())))

</pallas_src>

<mosaic_0001>
#map = affine_map<(d0, d1) -> (0, 0, 0)>
#map1 = affine_map<(d0, d1) -> (0, 0)>
module attributes {stable_mosaic.version = 14 : i64} {
  func.func @run(%arg0: i32, %arg1: i32, %arg2: memref<4x4096x1024xf32, #tpu.memory_space<hbm>>, %arg3: memref<8192x1024xf32, #tpu.memory_space<hbm>>, %arg4: memref<4x4096x1024xf32, #tpu.memory_space<hbm>>) attributes {dimension_semantics = [#tpu.dimension_semantics<core_parallel>, #tpu.dimension_semantics<subcore_parallel>], iteration_bounds = array<i64: 2, 16>, scalar_prefetch = 0 : i64, scratch_operands = 0 : i64, tpu.core_type = #tpu.core_type<sc_vector_subcore>, window_params = [{transform_indices = #map}, {transform_indices = #map1}, {transform_indices = #map}]} {
    %mul3A = arith.constant 1 : i32
    %mul3A_0 = arith.muli %arg1, %mul3A : i32
    %add3A = arith.constant 0 : i32
    %add3A_1 = arith.addi %add3A, %mul3A_0 : i32
    %mul3A_2 = arith.constant 16 : i32
    %mul3A_3 = arith.muli %arg0, %mul3A_2 : i32
    %add3A_4 = arith.addi %add3A_1, %mul3A_3 : i32
    %mul3A_5 = arith.constant 32 : i32
    %mul3A_6 = arith.muli %add3A_4, %mul3A_5 : i32
    "tpu.region"() ({
      %run_scoped3A = memref.alloca() : memref<2x4x4x1024xf32, #tpu.memory_space<vmem>>
      %run_scoped3A_7 = tpu.sem_alloc : memref<2x!tpu.dma_semaphore, #tpu.memory_space<semaphore_mem>>
      %run_scoped3A_8 = memref.alloca() : memref<2x4x1024xf32, #tpu.memory_space<vmem>>
      %run_scoped3A_9 = tpu.sem_alloc : memref<2x!tpu.dma_semaphore, #tpu.memory_space<semaphore_mem>>
      %run_scoped3A_10 = memref.alloca() : memref<2x4x4x1024xf32, #tpu.memory_space<vmem>>
      %run_scoped3A_11 = tpu.sem_alloc : memref<2x!tpu.dma_semaphore, #tpu.memory_space<semaphore_mem>>
      %add3A_12 = arith.constant 0 : i32
      %add3A_13 = arith.addi %add3A_12, %mul3A_6 : i32
      %select_n3A = arith.constant true
      %select_n3A_14 = arith.constant 0 : i32
      %select_n3A_15 = arith.constant -1 : i32
      %select_n3A_16 = arith.select %select_n3A, %select_n3A_15, %select_n3A_14 : i32
      %eq3A = arith.constant -1 : i32
      %eq3A_17 = arith.cmpi eq, %select_n3A_16, %eq3A : i32
      %select_n3A_18 = arith.constant 31 : i32
      %select_n3A_19 = arith.select %eq3A_17, %select_n3A_18, %select_n3A_16 : i32
      %add3A_20 = arith.addi %select_n3A_19, %mul3A_6 : i32
      %select_n3A_21 = arith.constant true
      %select_n3A_22 = arith.constant 0 : i32
      %select_n3A_23 = arith.constant 1 : i32
      %select_n3A_24 = arith.select %select_n3A_21, %select_n3A_23, %select_n3A_22 : i32
      %eq3A_25 = arith.constant 32 : i32
      %eq3A_26 = arith.cmpi eq, %select_n3A_24, %eq3A_25 : i32
      %select_n3A_27 = arith.constant 0 : i32
      %select_n3A_28 = arith.select %eq3A_26, %select_n3A_27, %select_n3A_24 : i32
      %add3A_29 = arith.addi %select_n3A_28, %mul3A_6 : i32
      %add3A_30 = arith.constant 1 : i32
      %add3A_31 = arith.addi %select_n3A_28, %add3A_30 : i32
      %select_n3A_32 = arith.constant true
      %select_n3A_33 = arith.select %select_n3A_32, %add3A_31, %select_n3A_28 : i32
      %eq3A_34 = arith.constant 32 : i32
      %eq3A_35 = arith.cmpi eq, %select_n3A_33, %eq3A_34 : i32
      %select_n3A_36 = arith.constant 0 : i32
      %select_n3A_37 = arith.select %eq3A_35, %select_n3A_36, %select_n3A_33 : i32
      %add3A_38 = arith.addi %select_n3A_37, %mul3A_6 : i32
      "tpu.trace_start"() <{level = 10 : i32, message = "ep_initialize_0"}> : () -> ()
      %rem3A = arith.constant 0 : i32
      %rem3A_39 = arith.constant 2 : i32
      %rem3A_40 = arith.remui %rem3A, %rem3A_39 : i32
      %mul3A_41 = arith.constant 4 : i32
      %mul3A_42 = arith.muli %mul3A_41, %add3A_13 : i32
      %dma_start3A = arith.constant 0 : i32
      %dma_start3A_43 = arith.constant 0 : i32
      %dma_start3A_44 = arith.constant 0 : i32
      %dma_start3A_45 = tpu.memref_slice %run_scoped3A[%rem3A_40, %dma_start3A, %dma_start3A_43, %dma_start3A_44] : memref<2x4x4x1024xf32, #tpu.memory_space<vmem>> -> memref<1x4x4x1024xf32, #tpu.memory_space<vmem>>
      %dma_start3A_46 = tpu.memref_squeeze %dma_start3A_45 : memref<1x4x4x1024xf32, #tpu.memory_space<vmem>> -> memref<4x4x1024xf32, #tpu.memory_space<vmem>>
      %dma_start3A_47 = arith.constant 0 : i32
      %dma_start3A_48 = arith.constant 0 : i32
      %dma_start3A_49 = tpu.memref_slice %arg2[%dma_start3A_47, %mul3A_42, %dma_start3A_48] : memref<4x4096x1024xf32, #tpu.memory_space<hbm>> -> memref<4x4x1024xf32, #tpu.memory_space<hbm>>
      %dma_start3A_50 = tpu.memref_slice %run_scoped3A_7[%rem3A_40] : memref<2x!tpu.dma_semaphore, #tpu.memory_space<semaphore_mem>> -> memref<1x!tpu.dma_semaphore, #tpu.memory_space<semaphore_mem>>
      %dma_start3A_51 = tpu.memref_squeeze %dma_start3A_50 : memref<1x!tpu.dma_semaphore, #tpu.memory_space<semaphore_mem>> -> memref<!tpu.dma_semaphore, #tpu.memory_space<semaphore_mem>>
      %dma_start3A_52 = arith.constant 0 : i32
      %dma_start3A_53 = arith.constant 0 : i32
      %dma_start3A_54 = arith.constant 0 : i32
      %dma_start3A_55 = tpu.memref_slice %run_scoped3A[%rem3A_40, %dma_start3A_52, %dma_start3A_53, %dma_start3A_54] : memref<2x4x4x1024xf32, #tpu.memory_space<vmem>> -> memref<1x4x4x1024xf32, #tpu.memory_space<vmem>>
      %dma_start3A_56 = tpu.memref_squeeze %dma_start3A_55 : memref<1x4x4x1024xf32, #tpu.memory_space<vmem>> -> memref<4x4x1024xf32, #tpu.memory_space<vmem>>
      %dma_start3A_57 = arith.constant 0 : i32
      %dma_start3A_58 = arith.constant 0 : i32
      %dma_start3A_59 = tpu.memref_slice %arg2[%dma_start3A_57, %mul3A_42, %dma_start3A_58] : memref<4x4096x1024xf32, #tpu.memory_space<hbm>> -> memref<4x4x1024xf32, #tpu.memory_space<hbm>>
      tpu.enqueue_dma source(%dma_start3A_59 : memref<4x4x1024xf32, #tpu.memory_space<hbm>>) target(%dma_start3A_56 : memref<4x4x1024xf32, #tpu.memory_space<vmem>>) target_semaphore(%dma_start3A_51 : memref<!tpu.dma_semaphore, #tpu.memory_space<semaphore_mem>>)
      %add3A_60 = arith.constant 0 : i32
      %add3A_61 = arith.constant 1 : i32
      %add3A_62 = arith.addi %add3A_60, %add3A_61 : i32
      %select_n3A_63 = arith.constant true
      %select_n3A_64 = arith.constant 0 : i32
      %select_n3A_65 = arith.select %select_n3A_63, %add3A_62, %select_n3A_64 : i32
      %rem3A_66 = arith.constant 0 : i32
      %rem3A_67 = arith.constant 2 : i32
      %rem3A_68 = arith.remui %rem3A_66, %rem3A_67 : i32
      %mul3A_69 = arith.constant 4 : i32
      %mul3A_70 = arith.muli %mul3A_69, %add3A_13 : i32
      %dma_start3A_71 = arith.constant 0 : i32
      %dma_start3A_72 = arith.constant 0 : i32
      %dma_start3A_73 = tpu.memref_slice %run_scoped3A_8[%rem3A_68, %dma_start3A_71, %dma_start3A_72] : memref<2x4x1024xf32, #tpu.memory_space<vmem>> -> memref<1x4x1024xf32, #tpu.memory_space<vmem>>
      %dma_start3A_74 = tpu.memref_squeeze %dma_start3A_73 : memref<1x4x1024xf32, #tpu.memory_space<vmem>> -> memref<4x1024xf32, #tpu.memory_space<vmem>>
      %dma_start3A_75 = arith.constant 0 : i32
      %dma_start3A_76 = tpu.memref_slice %arg3[%mul3A_70, %dma_start3A_75] : memref<8192x1024xf32, #tpu.memory_space<hbm>> -> memref<4x1024xf32, #tpu.memory_space<hbm>>
      %dma_start3A_77 = tpu.memref_slice %run_scoped3A_9[%rem3A_68] : memref<2x!tpu.dma_semaphore, #tpu.memory_space<semaphore_mem>> -> memref<1x!tpu.dma_semaphore, #tpu.memory_space<semaphore_mem>>
      %dma_start3A_78 = tpu.memref_squeeze %dma_start3A_77 : memref<1x!tpu.dma_semaphore, #tpu.memory_space<semaphore_mem>> -> memref<!tpu.dma_semaphore, #tpu.memory_space<semaphore_mem>>
      %dma_start3A_79 = arith.constant 0 : i32
      %dma_start3A_80 = arith.constant 0 : i32
      %dma_start3A_81 = tpu.memref_slice %run_scoped3A_8[%rem3A_68, %dma_start3A_79, %dma_start3A_80] : memref<2x4x1024xf32, #tpu.memory_space<vmem>> -> memref<1x4x1024xf32, #tpu.memory_space<vmem>>
      %dma_start3A_82 = tpu.memref_squeeze %dma_start3A_81 : memref<1x4x1024xf32, #tpu.memory_space<vmem>> -> memref<4x1024xf32, #tpu.memory_space<vmem>>
      %dma_start3A_83 = arith.constant 0 : i32
      %dma_start3A_84 = tpu.memref_slice %arg3[%mul3A_70, %dma_start3A_83] : memref<8192x1024xf32, #tpu.memory_space<hbm>> -> memref<4x1024xf32, #tpu.memory_space<hbm>>
      tpu.enqueue_dma source(%dma_start3A_84 : memref<4x1024xf32, #tpu.memory_space<hbm>>) target(%dma_start3A_82 : memref<4x1024xf32, #tpu.memory_space<vmem>>) target_semaphore(%dma_start3A_78 : memref<!tpu.dma_semaphore, #tpu.memory_space<semaphore_mem>>)
      %add3A_85 = arith.constant 0 : i32
      %add3A_86 = arith.constant 1 : i32
      %add3A_87 = arith.addi %add3A_85, %add3A_86 : i32
      %select_n3A_88 = arith.constant true
      %select_n3A_89 = arith.constant 0 : i32
      %select_n3A_90 = arith.select %select_n3A_88, %add3A_87, %select_n3A_89 : i32
      "tpu.trace_stop"() : () -> ()
      %scan3A = arith.constant 0 : i32
      %scan3A_91 = arith.constant 0 : i32
      %scan3A_92 = arith.constant 0 : i32
      %scan3A_93 = arith.constant 0 : i32
      %scan3A_94 = arith.constant 0 : i32
      %scan3A_95 = arith.constant 0 : i32
      %scan3A_96 = arith.constant 32 : i32
      %scan3A_97 = arith.addi %scan3A_95, %scan3A_96 : i32
      %scan3A_98 = arith.constant 1 : i32
      %scan3A_99:7 = scf.for %scan3A_157 = %scan3A_95 to %scan3A_97 step %scan3A_98 iter_args(%scan3A_158 = %select_n3A_65, %scan3A_159 = %scan3A, %scan3A_160 = %select_n3A_90, %scan3A_161 = %scan3A_91, %scan3A_162 = %scan3A_92, %scan3A_163 = %scan3A_93, %scan3A_164 = %scan3A_94) -> (i32, i32, i32, i32, i32, i32, i32)  : i32 {
        %eq3A_165 = arith.constant 0 : i32
        %eq3A_166 = arith.cmpi eq, %scan3A_157, %eq3A_165 : i32
        %eq3A_167 = arith.constant 31 : i32
        %eq3A_168 = arith.cmpi eq, %scan3A_157, %eq3A_167 : i32
        %add3A_169 = arith.addi %scan3A_164, %mul3A_6 : i32
        %sub3A_170 = arith.constant 1 : i32
        %sub3A_171 = arith.subi %scan3A_164, %sub3A_170 : i32
        %select_n3A_172 = arith.constant true
        %select_n3A_173 = arith.select %select_n3A_172, %sub3A_171, %scan3A_164 : i32
        %eq3A_174 = arith.constant -1 : i32
        %eq3A_175 = arith.cmpi eq, %select_n3A_173, %eq3A_174 : i32
        %select_n3A_176 = arith.constant 31 : i32
        %select_n3A_177 = arith.select %eq3A_175, %select_n3A_176, %select_n3A_173 : i32
        %add3A_178 = arith.addi %select_n3A_177, %mul3A_6 : i32
        %add3A_179 = arith.constant 1 : i32
        %add3A_180 = arith.addi %scan3A_164, %add3A_179 : i32
        %select_n3A_181 = arith.constant true
        %select_n3A_182 = arith.select %select_n3A_181, %add3A_180, %scan3A_164 : i32
        %eq3A_183 = arith.constant 32 : i32
        %eq3A_184 = arith.cmpi eq, %select_n3A_182, %eq3A_183 : i32
        %select_n3A_185 = arith.constant 0 : i32
        %select_n3A_186 = arith.select %eq3A_184, %select_n3A_185, %select_n3A_182 : i32
        %add3A_187 = arith.addi %select_n3A_186, %mul3A_6 : i32
        %add3A_188 = arith.constant 1 : i32
        %add3A_189 = arith.addi %select_n3A_186, %add3A_188 : i32
        %select_n3A_190 = arith.constant true
        %select_n3A_191 = arith.select %select_n3A_190, %add3A_189, %select_n3A_186 : i32
        %eq3A_192 = arith.constant 32 : i32
        %eq3A_193 = arith.cmpi eq, %select_n3A_191, %eq3A_192 : i32
        %select_n3A_194 = arith.constant 0 : i32
        %select_n3A_195 = arith.select %eq3A_193, %select_n3A_194, %select_n3A_191 : i32
        %add3A_196 = arith.addi %select_n3A_195, %mul3A_6 : i32
        %ne3A = arith.cmpi ne, %add3A_169, %add3A_187 : i32
        %or3A = arith.constant false
        %or3A_197 = arith.ori %or3A, %ne3A : i1
        %or3A_198 = arith.constant false
        %or3A_199 = arith.ori %or3A_197, %or3A_198 : i1
        %ge3A = arith.constant 31 : i32
        %ge3A_200 = arith.cmpi sge, %scan3A_157, %ge3A : i32
        %not3A = arith.constant true
        %not3A_201 = arith.xori %ge3A_200, %not3A : i1
        %and3A = arith.andi %or3A_199, %not3A_201 : i1
        %convert_element_type3A = arith.extui %and3A : i1 to i32
        %cond3A = arith.constant 0 : i32
        %cond3A_202 = arith.cmpi ne, %convert_element_type3A, %cond3A : i32
        scf.if %cond3A_202 {
          "tpu.trace_start"() <{level = 10 : i32, message = "ep_copy_in"}> : () -> ()
          %rem3A_378 = arith.constant 2 : i32
          %rem3A_379 = arith.remui %scan3A_158, %rem3A_378 : i32
          %mul3A_380 = arith.constant 4 : i32
          %mul3A_381 = arith.muli %mul3A_380, %add3A_187 : i32
          %dma_start3A_382 = arith.constant 0 : i32
          %dma_start3A_383 = arith.constant 0 : i32
          %dma_start3A_384 = arith.constant 0 : i32
          %dma_start3A_385 = tpu.memref_slice %run_scoped3A[%rem3A_379, %dma_start3A_382, %dma_start3A_383, %dma_start3A_384] : memref<2x4x4x1024xf32, #tpu.memory_space<vmem>> -> memref<1x4x4x1024xf32, #tpu.memory_space<vmem>>
          %dma_start3A_386 = tpu.memref_squeeze %dma_start3A_385 : memref<1x4x4x1024xf32, #tpu.memory_space<vmem>> -> memref<4x4x1024xf32, #tpu.memory_space<vmem>>
          %dma_start3A_387 = arith.constant 0 : i32
          %dma_start3A_388 = arith.constant 0 : i32
          %dma_start3A_389 = tpu.memref_slice %arg2[%dma_start3A_387, %mul3A_381, %dma_start3A_388] : memref<4x4096x1024xf32, #tpu.memory_space<hbm>> -> memref<4x4x1024xf32, #tpu.memory_space<hbm>>
          %dma_start3A_390 = tpu.memref_slice %run_scoped3A_7[%rem3A_379] : memref<2x!tpu.dma_semaphore, #tpu.memory_space<semaphore_mem>> -> memref<1x!tpu.dma_semaphore, #tpu.memory_space<semaphore_mem>>
          %dma_start3A_391 = tpu.memref_squeeze %dma_start3A_390 : memref<1x!tpu.dma_semaphore, #tpu.memory_space<semaphore_mem>> -> memref<!tpu.dma_semaphore, #tpu.memory_space<semaphore_mem>>
          %dma_start3A_392 = arith.constant 0 : i32
          %dma_start3A_393 = arith.constant 0 : i32
          %dma_start3A_394 = arith.constant 0 : i32
          %dma_start3A_395 = tpu.memref_slice %run_scoped3A[%rem3A_379, %dma_start3A_392, %dma_start3A_393, %dma_start3A_394] : memref<2x4x4x1024xf32, #tpu.memory_space<vmem>> -> memref<1x4x4x1024xf32, #tpu.memory_space<vmem>>
          %dma_start3A_396 = tpu.memref_squeeze %dma_start3A_395 : memref<1x4x4x1024xf32, #tpu.memory_space<vmem>> -> memref<4x4x1024xf32, #tpu.memory_space<vmem>>
          %dma_start3A_397 = arith.constant 0 : i32
          %dma_start3A_398 = arith.constant 0 : i32
          %dma_start3A_399 = tpu.memref_slice %arg2[%dma_start3A_397, %mul3A_381, %dma_start3A_398] : memref<4x4096x1024xf32, #tpu.memory_space<hbm>> -> memref<4x4x1024xf32, #tpu.memory_space<hbm>>
          tpu.enqueue_dma source(%dma_start3A_399 : memref<4x4x1024xf32, #tpu.memory_space<hbm>>) target(%dma_start3A_396 : memref<4x4x1024xf32, #tpu.memory_space<vmem>>) target_semaphore(%dma_start3A_391 : memref<!tpu.dma_semaphore, #tpu.memory_space<semaphore_mem>>)
          "tpu.trace_stop"() : () -> ()
        } else {
        }
        %and3A_203 = arith.constant true
        %and3A_204 = arith.andi %and3A, %and3A_203 : i1
        %add3A_205 = arith.constant 1 : i32
        %add3A_206 = arith.addi %scan3A_158, %add3A_205 : i32
        %select_n3A_207 = arith.select %and3A_204, %add3A_206, %scan3A_158 : i32
        %ne3A_208 = arith.cmpi ne, %add3A_169, %add3A_187 : i32
        %or3A_209 = arith.constant false
        %or3A_210 = arith.ori %or3A_209, %ne3A_208 : i1
        %or3A_211 = arith.constant false
        %or3A_212 = arith.ori %or3A_210, %or3A_211 : i1
        %ge3A_213 = arith.constant 31 : i32
        %ge3A_214 = arith.cmpi sge, %scan3A_157, %ge3A_213 : i32
        %not3A_215 = arith.constant true
        %not3A_216 = arith.xori %ge3A_214, %not3A_215 : i1
        %and3A_217 = arith.andi %or3A_212, %not3A_216 : i1
        %convert_element_type3A_218 = arith.extui %and3A_217 : i1 to i32
        %cond3A_219 = arith.constant 0 : i32
        %cond3A_220 = arith.cmpi ne, %convert_element_type3A_218, %cond3A_219 : i32
        scf.if %cond3A_220 {
          "tpu.trace_start"() <{level = 10 : i32, message = "ep_copy_in"}> : () -> ()
          %rem3A_378 = arith.constant 2 : i32
          %rem3A_379 = arith.remui %scan3A_160, %rem3A_378 : i32
          %mul3A_380 = arith.constant 4 : i32
          %mul3A_381 = arith.muli %mul3A_380, %add3A_187 : i32
          %dma_start3A_382 = arith.constant 0 : i32
          %dma_start3A_383 = arith.constant 0 : i32
          %dma_start3A_384 = tpu.memref_slice %run_scoped3A_8[%rem3A_379, %dma_start3A_382, %dma_start3A_383] : memref<2x4x1024xf32, #tpu.memory_space<vmem>> -> memref<1x4x1024xf32, #tpu.memory_space<vmem>>
          %dma_start3A_385 = tpu.memref_squeeze %dma_start3A_384 : memref<1x4x1024xf32, #tpu.memory_space<vmem>> -> memref<4x1024xf32, #tpu.memory_space<vmem>>
          %dma_start3A_386 = arith.constant 0 : i32
          %dma_start3A_387 = tpu.memref_slice %arg3[%mul3A_381, %dma_start3A_386] : memref<8192x1024xf32, #tpu.memory_space<hbm>> -> memref<4x1024xf32, #tpu.memory_space<hbm>>
          %dma_start3A_388 = tpu.memref_slice %run_scoped3A_9[%rem3A_379] : memref<2x!tpu.dma_semaphore, #tpu.memory_space<semaphore_mem>> -> memref<1x!tpu.dma_semaphore, #tpu.memory_space<semaphore_mem>>
          %dma_start3A_389 = tpu.memref_squeeze %dma_start3A_388 : memref<1x!tpu.dma_semaphore, #tpu.memory_space<semaphore_mem>> -> memref<!tpu.dma_semaphore, #tpu.memory_space<semaphore_mem>>
          %dma_start3A_390 = arith.constant 0 : i32
          %dma_start3A_391 = arith.constant 0 : i32
          %dma_start3A_392 = tpu.memref_slice %run_scoped3A_8[%rem3A_379, %dma_start3A_390, %dma_start3A_391] : memref<2x4x1024xf32, #tpu.memory_space<vmem>> -> memref<1x4x1024xf32, #tpu.memory_space<vmem>>
          %dma_start3A_393 = tpu.memref_squeeze %dma_start3A_392 : memref<1x4x1024xf32, #tpu.memory_space<vmem>> -> memref<4x1024xf32, #tpu.memory_space<vmem>>
          %dma_start3A_394 = arith.constant 0 : i32
          %dma_start3A_395 = tpu.memref_slice %arg3[%mul3A_381, %dma_start3A_394] : memref<8192x1024xf32, #tpu.memory_space<hbm>> -> memref<4x1024xf32, #tpu.memory_space<hbm>>
          tpu.enqueue_dma source(%dma_start3A_395 : memref<4x1024xf32, #tpu.memory_space<hbm>>) target(%dma_start3A_393 : memref<4x1024xf32, #tpu.memory_space<vmem>>) target_semaphore(%dma_start3A_389 : memref<!tpu.dma_semaphore, #tpu.memory_space<semaphore_mem>>)
          "tpu.trace_stop"() : () -> ()
        } else {
        }
        %and3A_221 = arith.constant true
        %and3A_222 = arith.andi %and3A_217, %and3A_221 : i1
        %add3A_223 = arith.constant 1 : i32
        %add3A_224 = arith.addi %scan3A_160, %add3A_223 : i32
        %select_n3A_225 = arith.select %and3A_222, %add3A_224, %scan3A_160 : i32
        %ne3A_226 = arith.cmpi ne, %add3A_169, %add3A_187 : i32
        %or3A_227 = arith.constant false
        %or3A_228 = arith.ori %or3A_227, %ne3A_226 : i1
        %or3A_229 = arith.constant false
        %or3A_230 = arith.ori %or3A_228, %or3A_229 : i1
        %ge3A_231 = arith.constant 31 : i32
        %ge3A_232 = arith.cmpi sge, %scan3A_157, %ge3A_231 : i32
        %not3A_233 = arith.constant true
        %not3A_234 = arith.xori %ge3A_232, %not3A_233 : i1
        %and3A_235 = arith.andi %or3A_230, %not3A_234 : i1
        %ne3A_236 = arith.cmpi ne, %add3A_169, %add3A_178 : i32
        %or3A_237 = arith.constant false
        %or3A_238 = arith.ori %or3A_237, %ne3A_236 : i1
        %or3A_239 = arith.constant false
        %or3A_240 = arith.ori %or3A_238, %or3A_239 : i1
        %or3A_241 = arith.ori %or3A_240, %eq3A_166 : i1
        %convert_element_type3A_242 = arith.extui %or3A_241 : i1 to i32
        %cond3A_243 = arith.constant 0 : i32
        %cond3A_244 = arith.cmpi ne, %convert_element_type3A_242, %cond3A_243 : i32
        scf.if %cond3A_244 {
          "tpu.trace_start"() <{level = 10 : i32, message = "ep_wait_in"}> : () -> ()
          %mul3A_378 = arith.constant 4 : i32
          %mul3A_379 = arith.muli %mul3A_378, %add3A_169 : i32
          %rem3A_380 = arith.constant 2 : i32
          %rem3A_381 = arith.remui %scan3A_159, %rem3A_380 : i32
          %dma_wait3A_382 = arith.constant 0 : i32
          %dma_wait3A_383 = arith.constant 0 : i32
          %dma_wait3A_384 = arith.constant 0 : i32
          %dma_wait3A_385 = tpu.memref_slice %run_scoped3A[%rem3A_381, %dma_wait3A_382, %dma_wait3A_383, %dma_wait3A_384] : memref<2x4x4x1024xf32, #tpu.memory_space<vmem>> -> memref<1x4x4x1024xf32, #tpu.memory_space<vmem>>
          %dma_wait3A_386 = tpu.memref_squeeze %dma_wait3A_385 : memref<1x4x4x1024xf32, #tpu.memory_space<vmem>> -> memref<4x4x1024xf32, #tpu.memory_space<vmem>>
          %dma_wait3A_387 = arith.constant 0 : i32
          %dma_wait3A_388 = arith.constant 0 : i32
          %dma_wait3A_389 = tpu.memref_slice %arg2[%dma_wait3A_387, %mul3A_379, %dma_wait3A_388] : memref<4x4096x1024xf32, #tpu.memory_space<hbm>> -> memref<4x4x1024xf32, #tpu.memory_space<hbm>>
          %dma_wait3A_390 = tpu.memref_slice %run_scoped3A_7[%rem3A_381] : memref<2x!tpu.dma_semaphore, #tpu.memory_space<semaphore_mem>> -> memref<1x!tpu.dma_semaphore, #tpu.memory_space<semaphore_mem>>
          %dma_wait3A_391 = tpu.memref_squeeze %dma_wait3A_390 : memref<1x!tpu.dma_semaphore, #tpu.memory_space<semaphore_mem>> -> memref<!tpu.dma_semaphore, #tpu.memory_space<semaphore_mem>>
          %dma_wait3A_392 = arith.constant 0 : i32
          %dma_wait3A_393 = arith.constant 0 : i32
          %dma_wait3A_394 = arith.constant 0 : i32
          %dma_wait3A_395 = tpu.memref_slice %run_scoped3A[%rem3A_381, %dma_wait3A_392, %dma_wait3A_393, %dma_wait3A_394] : memref<2x4x4x1024xf32, #tpu.memory_space<vmem>> -> memref<1x4x4x1024xf32, #tpu.memory_space<vmem>>
          %dma_wait3A_396 = tpu.memref_squeeze %dma_wait3A_395 : memref<1x4x4x1024xf32, #tpu.memory_space<vmem>> -> memref<4x4x1024xf32, #tpu.memory_space<vmem>>
          %dma_wait3A_397 = arith.constant 0 : i32
          %dma_wait3A_398 = arith.constant 0 : i32
          %dma_wait3A_399 = tpu.memref_slice %arg2[%dma_wait3A_397, %mul3A_379, %dma_wait3A_398] : memref<4x4096x1024xf32, #tpu.memory_space<hbm>> -> memref<4x4x1024xf32, #tpu.memory_space<hbm>>
          tpu.wait_dma2 semaphore(%dma_wait3A_391 : memref<!tpu.dma_semaphore, #tpu.memory_space<semaphore_mem>>) src(%dma_wait3A_399 : memref<4x4x1024xf32, #tpu.memory_space<hbm>>) dst(%dma_wait3A_396 : memref<4x4x1024xf32, #tpu.memory_space<vmem>>)
          "tpu.trace_stop"() : () -> ()
        } else {
        }
        %ne3A_245 = arith.cmpi ne, %add3A_169, %add3A_178 : i32
        %or3A_246 = arith.constant false
        %or3A_247 = arith.ori %or3A_246, %ne3A_245 : i1
        %or3A_248 = arith.constant false
        %or3A_249 = arith.ori %or3A_247, %or3A_248 : i1
        %or3A_250 = arith.ori %or3A_249, %eq3A_166 : i1
        %convert_element_type3A_251 = arith.extui %or3A_250 : i1 to i32
        %cond3A_252 = arith.constant 0 : i32
        %cond3A_253 = arith.cmpi ne, %convert_element_type3A_251, %cond3A_252 : i32
        scf.if %cond3A_253 {
          "tpu.trace_start"() <{level = 10 : i32, message = "ep_wait_in"}> : () -> ()
          %mul3A_378 = arith.constant 4 : i32
          %mul3A_379 = arith.muli %mul3A_378, %add3A_169 : i32
          %rem3A_380 = arith.constant 2 : i32
          %rem3A_381 = arith.remui %scan3A_161, %rem3A_380 : i32
          %dma_wait3A_382 = arith.constant 0 : i32
          %dma_wait3A_383 = arith.constant 0 : i32
          %dma_wait3A_384 = tpu.memref_slice %run_scoped3A_8[%rem3A_381, %dma_wait3A_382, %dma_wait3A_383] : memref<2x4x1024xf32, #tpu.memory_space<vmem>> -> memref<1x4x1024xf32, #tpu.memory_space<vmem>>
          %dma_wait3A_385 = tpu.memref_squeeze %dma_wait3A_384 : memref<1x4x1024xf32, #tpu.memory_space<vmem>> -> memref<4x1024xf32, #tpu.memory_space<vmem>>
          %dma_wait3A_386 = arith.constant 0 : i32
          %dma_wait3A_387 = tpu.memref_slice %arg3[%mul3A_379, %dma_wait3A_386] : memref<8192x1024xf32, #tpu.memory_space<hbm>> -> memref<4x1024xf32, #tpu.memory_space<hbm>>
          %dma_wait3A_388 = tpu.memref_slice %run_scoped3A_9[%rem3A_381] : memref<2x!tpu.dma_semaphore, #tpu.memory_space<semaphore_mem>> -> memref<1x!tpu.dma_semaphore, #tpu.memory_space<semaphore_mem>>
          %dma_wait3A_389 = tpu.memref_squeeze %dma_wait3A_388 : memref<1x!tpu.dma_semaphore, #tpu.memory_space<semaphore_mem>> -> memref<!tpu.dma_semaphore, #tpu.memory_space<semaphore_mem>>
          %dma_wait3A_390 = arith.constant 0 : i32
          %dma_wait3A_391 = arith.constant 0 : i32
          %dma_wait3A_392 = tpu.memref_slice %run_scoped3A_8[%rem3A_381, %dma_wait3A_390, %dma_wait3A_391] : memref<2x4x1024xf32, #tpu.memory_space<vmem>> -> memref<1x4x1024xf32, #tpu.memory_space<vmem>>
          %dma_wait3A_393 = tpu.memref_squeeze %dma_wait3A_392 : memref<1x4x1024xf32, #tpu.memory_space<vmem>> -> memref<4x1024xf32, #tpu.memory_space<vmem>>
          %dma_wait3A_394 = arith.constant 0 : i32
          %dma_wait3A_395 = tpu.memref_slice %arg3[%mul3A_379, %dma_wait3A_394] : memref<8192x1024xf32, #tpu.memory_space<hbm>> -> memref<4x1024xf32, #tpu.memory_space<hbm>>
          tpu.wait_dma2 semaphore(%dma_wait3A_389 : memref<!tpu.dma_semaphore, #tpu.memory_space<semaphore_mem>>) src(%dma_wait3A_395 : memref<4x1024xf32, #tpu.memory_space<hbm>>) dst(%dma_wait3A_393 : memref<4x1024xf32, #tpu.memory_space<vmem>>)
          "tpu.trace_stop"() : () -> ()
        } else {
        }
        %ne3A_254 = arith.cmpi ne, %add3A_169, %add3A_178 : i32
        %or3A_255 = arith.constant false
        %or3A_256 = arith.ori %or3A_255, %ne3A_254 : i1
        %or3A_257 = arith.constant false
        %or3A_258 = arith.ori %or3A_256, %or3A_257 : i1
        %or3A_259 = arith.ori %or3A_258, %eq3A_166 : i1
        %convert_element_type3A_260 = arith.extui %or3A_259 : i1 to i32
        %cond3A_261 = arith.constant 0 : i32
        %cond3A_262 = arith.cmpi ne, %convert_element_type3A_260, %cond3A_261 : i32
        scf.if %cond3A_262 {
        } else {
        }
        %rem3A_263 = arith.constant 2 : i32
        %rem3A_264 = arith.remui %scan3A_159, %rem3A_263 : i32
        %rem3A_265 = arith.constant 2 : i32
        %rem3A_266 = arith.remui %scan3A_161, %rem3A_265 : i32
        %rem3A_267 = arith.constant 2 : i32
        %rem3A_268 = arith.remui %scan3A_162, %rem3A_267 : i32
        "tpu.trace_start"() <{level = 10 : i32, message = "ep_run_kernel"}> : () -> ()
        %scan3A_269 = arith.constant 0 : i32
        %scan3A_270 = arith.constant 4 : i32
        %scan3A_271 = arith.addi %scan3A_269, %scan3A_270 : i32
        %scan3A_272 = arith.constant 1 : i32
        scf.for %scan3A_378 = %scan3A_269 to %scan3A_271 step %scan3A_272  : i32 {
          %mul3A_379 = arith.constant 1 : i32
          %mul3A_380 = arith.muli %scan3A_378, %mul3A_379 : i32
          %add3A_381 = arith.constant 0 : i32
          %add3A_382 = arith.addi %add3A_381, %mul3A_380 : i32
          %scan3A_383 = arith.constant 0 : i32
          %scan3A_384 = arith.constant 4 : i32
          %scan3A_385 = arith.addi %scan3A_383, %scan3A_384 : i32
          %scan3A_386 = arith.constant 1 : i32
          scf.for %scan3A_388 = %scan3A_383 to %scan3A_385 step %scan3A_386  : i32 {
            %mul3A_389 = arith.constant 1 : i32
            %mul3A_390 = arith.muli %scan3A_388, %mul3A_389 : i32
            %add3A_391 = arith.constant 0 : i32
            %add3A_392 = arith.addi %add3A_391, %mul3A_390 : i32
            %scan3A_393 = arith.constant 0 : i32
            %scan3A_394 = arith.constant 64 : i32
            %scan3A_395 = arith.addi %scan3A_393, %scan3A_394 : i32
            %scan3A_396 = arith.constant 1 : i32
            scf.for %scan3A_398 = %scan3A_393 to %scan3A_395 step %scan3A_396  : i32 {
              %mul3A_399 = arith.constant 16 : i32
              %mul3A_400 = arith.muli %scan3A_398, %mul3A_399 : i32
              %add3A_401 = arith.constant 0 : i32
              %add3A_402 = arith.addi %add3A_401, %mul3A_400 : i32
              %get3A = arith.constant 0 : i32
              %get3A_403 = arith.constant 0 : i32
              %get3A_404 = arith.constant 0 : i32
              %get3A_405 = tpu.memref_slice %run_scoped3A[%rem3A_264, %get3A, %get3A_403, %get3A_404] : memref<2x4x4x1024xf32, #tpu.memory_space<vmem>> -> memref<1x4x4x1024xf32, #tpu.memory_space<vmem>>
              %get3A_406 = tpu.memref_squeeze %get3A_405 : memref<1x4x4x1024xf32, #tpu.memory_space<vmem>> -> memref<4x4x1024xf32, #tpu.memory_space<vmem>>
              %get3A_407 = arith.index_cast %add3A_382 : i32 to index
              %get3A_408 = arith.index_cast %add3A_392 : i32 to index
              %get3A_409 = arith.index_cast %add3A_402 : i32 to index
              %get3A_410 = tpu.vector_load %get3A_406[%get3A_407, %get3A_408, %get3A_409] {strides = array<i32>} : memref<4x4x1024xf32, #tpu.memory_space<vmem>>, vector<1x1x16xf32>,
              %get3A_411 = vector.shape_cast %get3A_410 : vector<1x1x16xf32> to vector<1x1x16xf32>
              %get3A_412 = arith.constant 0 : i32
              %get3A_413 = arith.constant 0 : i32
              %get3A_414 = tpu.memref_slice %run_scoped3A_8[%rem3A_266, %get3A_412, %get3A_413] : memref<2x4x1024xf32, #tpu.memory_space<vmem>> -> memref<1x4x1024xf32, #tpu.memory_space<vmem>>
              %get3A_415 = tpu.memref_squeeze %get3A_414 : memref<1x4x1024xf32, #tpu.memory_space<vmem>> -> memref<4x1024xf32, #tpu.memory_space<vmem>>
              %get3A_416 = arith.index_cast %add3A_392 : i32 to index
              %get3A_417 = arith.index_cast %add3A_402 : i32 to index
              %get3A_418 = tpu.vector_load %get3A_415[%get3A_416, %get3A_417] {strides = array<i32>} : memref<4x1024xf32, #tpu.memory_space<vmem>>, vector<1x16xf32>,
              %get3A_419 = vector.shape_cast %get3A_418 : vector<1x16xf32> to vector<1x16xf32>
              %reshape3A = vector.shape_cast %get3A_419 : vector<1x16xf32> to vector<1x1x16xf32>
              %add3A_420 = arith.addf %get3A_411, %reshape3A : vector<1x1x16xf32>
              %swap3A = arith.constant 0 : i32
              %swap3A_421 = arith.constant 0 : i32
              %swap3A_422 = arith.constant 0 : i32
              %swap3A_423 = tpu.memref_slice %run_scoped3A_10[%rem3A_268, %swap3A, %swap3A_421, %swap3A_422] : memref<2x4x4x1024xf32, #tpu.memory_space<vmem>> -> memref<1x4x4x1024xf32, #tpu.memory_space<vmem>>
              %swap3A_424 = tpu.memref_squeeze %swap3A_423 : memref<1x4x4x1024xf32, #tpu.memory_space<vmem>> -> memref<4x4x1024xf32, #tpu.memory_space<vmem>>
              %swap3A_425 = arith.index_cast %add3A_382 : i32 to index
              %swap3A_426 = arith.index_cast %add3A_392 : i32 to index
              %swap3A_427 = arith.index_cast %add3A_402 : i32 to index
              %swap3A_428 = tpu.vector_load %swap3A_424[%swap3A_425, %swap3A_426, %swap3A_427] {strides = array<i32>} : memref<4x4x1024xf32, #tpu.memory_space<vmem>>, vector<1x1x16xf32>,
              %swap3A_429 = vector.shape_cast %swap3A_428 : vector<1x1x16xf32> to vector<1x1x16xf32>
              %swap3A_430 = vector.shape_cast %add3A_420 : vector<1x1x16xf32> to vector<1x1x16xf32>
              tpu.vector_store %swap3A_424[%swap3A_425, %swap3A_426, %swap3A_427], %swap3A_430 {strides = array<i32>} : memref<4x4x1024xf32, #tpu.memory_space<vmem>>, vector<1x1x16xf32>,
            }
            %scan3A_397 = arith.constant 64 : i32
          }
          %scan3A_387 = arith.constant 4 : i32
        }
        %scan3A_273 = arith.constant 4 : i32
        "tpu.trace_stop"() : () -> ()
        %ne3A_274 = arith.cmpi ne, %add3A_169, %add3A_187 : i32
        %or3A_275 = arith.constant false
        %or3A_276 = arith.ori %or3A_275, %ne3A_274 : i1
        %or3A_277 = arith.constant false
        %or3A_278 = arith.ori %or3A_276, %or3A_277 : i1
        %or3A_279 = arith.ori %or3A_278, %eq3A_168 : i1
        %convert_element_type3A_280 = arith.extui %or3A_279 : i1 to i32
        %cond3A_281 = arith.constant 0 : i32
        %cond3A_282 = arith.cmpi ne, %convert_element_type3A_280, %cond3A_281 : i32
        scf.if %cond3A_282 {
        } else {
        }
        %and3A_283 = arith.constant false
        %and3A_284 = arith.andi %or3A_279, %and3A_283 : i1
        %ne3A_285 = arith.cmpi ne, %add3A_169, %add3A_187 : i32
        %or3A_286 = arith.constant false
        %or3A_287 = arith.ori %or3A_286, %ne3A_285 : i1
        %or3A_288 = arith.constant false
        %or3A_289 = arith.ori %or3A_287, %or3A_288 : i1
        %or3A_290 = arith.ori %or3A_289, %eq3A_168 : i1
        %convert_element_type3A_291 = arith.extui %or3A_290 : i1 to i32
        %cond3A_292 = arith.constant 0 : i32
        %cond3A_293 = arith.cmpi ne, %convert_element_type3A_291, %cond3A_292 : i32
        scf.if %cond3A_293 {
        } else {
        }
        %and3A_294 = arith.constant false
        %and3A_295 = arith.andi %or3A_290, %and3A_294 : i1
        %ne3A_296 = arith.cmpi ne, %add3A_169, %add3A_187 : i32
        %or3A_297 = arith.constant false
        %or3A_298 = arith.ori %or3A_297, %ne3A_296 : i1
        %or3A_299 = arith.constant false
        %or3A_300 = arith.ori %or3A_298, %or3A_299 : i1
        %or3A_301 = arith.ori %or3A_300, %eq3A_168 : i1
        %convert_element_type3A_302 = arith.extui %or3A_301 : i1 to i32
        %cond3A_303 = arith.constant 0 : i32
        %cond3A_304 = arith.cmpi ne, %convert_element_type3A_302, %cond3A_303 : i32
        scf.if %cond3A_304 {
          "tpu.trace_start"() <{level = 10 : i32, message = "ep_copy_out"}> : () -> ()
          %rem3A_378 = arith.constant 2 : i32
          %rem3A_379 = arith.remui %scan3A_162, %rem3A_378 : i32
          %mul3A_380 = arith.constant 4 : i32
          %mul3A_381 = arith.muli %mul3A_380, %add3A_169 : i32
          %dma_start3A_382 = arith.constant 0 : i32
          %dma_start3A_383 = arith.constant 0 : i32
          %dma_start3A_384 = arith.constant 0 : i32
          %dma_start3A_385 = tpu.memref_slice %run_scoped3A_10[%rem3A_379, %dma_start3A_382, %dma_start3A_383, %dma_start3A_384] : memref<2x4x4x1024xf32, #tpu.memory_space<vmem>> -> memref<1x4x4x1024xf32, #tpu.memory_space<vmem>>
          %dma_start3A_386 = tpu.memref_squeeze %dma_start3A_385 : memref<1x4x4x1024xf32, #tpu.memory_space<vmem>> -> memref<4x4x1024xf32, #tpu.memory_space<vmem>>
          %dma_start3A_387 = arith.constant 0 : i32
          %dma_start3A_388 = arith.constant 0 : i32
          %dma_start3A_389 = tpu.memref_slice %arg4[%dma_start3A_387, %mul3A_381, %dma_start3A_388] : memref<4x4096x1024xf32, #tpu.memory_space<hbm>> -> memref<4x4x1024xf32, #tpu.memory_space<hbm>>
          %dma_start3A_390 = tpu.memref_slice %run_scoped3A_11[%rem3A_379] : memref<2x!tpu.dma_semaphore, #tpu.memory_space<semaphore_mem>> -> memref<1x!tpu.dma_semaphore, #tpu.memory_space<semaphore_mem>>
          %dma_start3A_391 = tpu.memref_squeeze %dma_start3A_390 : memref<1x!tpu.dma_semaphore, #tpu.memory_space<semaphore_mem>> -> memref<!tpu.dma_semaphore, #tpu.memory_space<semaphore_mem>>
          %dma_start3A_392 = arith.constant 0 : i32
          %dma_start3A_393 = arith.constant 0 : i32
          %dma_start3A_394 = tpu.memref_slice %arg4[%dma_start3A_392, %mul3A_381, %dma_start3A_393] : memref<4x4096x1024xf32, #tpu.memory_space<hbm>> -> memref<4x4x1024xf32, #tpu.memory_space<hbm>>
          %dma_start3A_395 = arith.constant 0 : i32
          %dma_start3A_396 = arith.constant 0 : i32
          %dma_start3A_397 = arith.constant 0 : i32
          %dma_start3A_398 = tpu.memref_slice %run_scoped3A_10[%rem3A_379, %dma_start3A_395, %dma_start3A_396, %dma_start3A_397] : memref<2x4x4x1024xf32, #tpu.memory_space<vmem>> -> memref<1x4x4x1024xf32, #tpu.memory_space<vmem>>
          %dma_start3A_399 = tpu.memref_squeeze %dma_start3A_398 : memref<1x4x4x1024xf32, #tpu.memory_space<vmem>> -> memref<4x4x1024xf32, #tpu.memory_space<vmem>>
          tpu.enqueue_dma source(%dma_start3A_399 : memref<4x4x1024xf32, #tpu.memory_space<vmem>>) target(%dma_start3A_394 : memref<4x4x1024xf32, #tpu.memory_space<hbm>>) target_semaphore(%dma_start3A_391 : memref<!tpu.dma_semaphore, #tpu.memory_space<semaphore_mem>>)
          "tpu.trace_stop"() : () -> ()
        } else {
        }
        %and3A_305 = arith.constant true
        %and3A_306 = arith.andi %or3A_301, %and3A_305 : i1
        %add3A_307 = arith.constant 1 : i32
        %add3A_308 = arith.addi %scan3A_162, %add3A_307 : i32
        %select_n3A_309 = arith.select %and3A_306, %add3A_308, %scan3A_162 : i32
        %ne3A_310 = arith.cmpi ne, %add3A_169, %add3A_178 : i32
        %or3A_311 = arith.constant false
        %or3A_312 = arith.ori %or3A_311, %ne3A_310 : i1
        %or3A_313 = arith.constant false
        %or3A_314 = arith.ori %or3A_312, %or3A_313 : i1
        %not3A_315 = arith.constant true
        %not3A_316 = arith.xori %eq3A_166, %not3A_315 : i1
        %and3A_317 = arith.andi %or3A_314, %not3A_316 : i1
        %convert_element_type3A_318 = arith.extui %and3A_317 : i1 to i32
        %cond3A_319 = arith.constant 0 : i32
        %cond3A_320 = arith.cmpi ne, %convert_element_type3A_318, %cond3A_319 : i32
        scf.if %cond3A_320 {
        } else {
        }
        %and3A_321 = arith.constant false
        %and3A_322 = arith.andi %and3A_317, %and3A_321 : i1
        %ne3A_323 = arith.cmpi ne, %add3A_169, %add3A_178 : i32
        %or3A_324 = arith.constant false
        %or3A_325 = arith.ori %or3A_324, %ne3A_323 : i1
        %or3A_326 = arith.constant false
        %or3A_327 = arith.ori %or3A_325, %or3A_326 : i1
        %not3A_328 = arith.constant true
        %not3A_329 = arith.xori %eq3A_166, %not3A_328 : i1
        %and3A_330 = arith.andi %or3A_327, %not3A_329 : i1
        %convert_element_type3A_331 = arith.extui %and3A_330 : i1 to i32
        %cond3A_332 = arith.constant 0 : i32
        %cond3A_333 = arith.cmpi ne, %convert_element_type3A_331, %cond3A_332 : i32
        scf.if %cond3A_333 {
        } else {
        }
        %and3A_334 = arith.constant false
        %and3A_335 = arith.andi %and3A_330, %and3A_334 : i1
        %ne3A_336 = arith.cmpi ne, %add3A_169, %add3A_178 : i32
        %or3A_337 = arith.constant false
        %or3A_338 = arith.ori %or3A_337, %ne3A_336 : i1
        %or3A_339 = arith.constant false
        %or3A_340 = arith.ori %or3A_338, %or3A_339 : i1
        %not3A_341 = arith.constant true
        %not3A_342 = arith.xori %eq3A_166, %not3A_341 : i1
        %and3A_343 = arith.andi %or3A_340, %not3A_342 : i1
        %convert_element_type3A_344 = arith.extui %and3A_343 : i1 to i32
        %cond3A_345 = arith.constant 0 : i32
        %cond3A_346 = arith.cmpi ne, %convert_element_type3A_344, %cond3A_345 : i32
        scf.if %cond3A_346 {
          "tpu.trace_start"() <{level = 10 : i32, message = "ep_wait_out"}> : () -> ()
          %rem3A_378 = arith.constant 2 : i32
          %rem3A_379 = arith.remui %scan3A_163, %rem3A_378 : i32
          %mul3A_380 = arith.constant 4 : i32
          %mul3A_381 = arith.muli %mul3A_380, %add3A_178 : i32
          %dma_wait3A_382 = arith.constant 0 : i32
          %dma_wait3A_383 = arith.constant 0 : i32
          %dma_wait3A_384 = arith.constant 0 : i32
          %dma_wait3A_385 = tpu.memref_slice %run_scoped3A_10[%rem3A_379, %dma_wait3A_382, %dma_wait3A_383, %dma_wait3A_384] : memref<2x4x4x1024xf32, #tpu.memory_space<vmem>> -> memref<1x4x4x1024xf32, #tpu.memory_space<vmem>>
          %dma_wait3A_386 = tpu.memref_squeeze %dma_wait3A_385 : memref<1x4x4x1024xf32, #tpu.memory_space<vmem>> -> memref<4x4x1024xf32, #tpu.memory_space<vmem>>
          %dma_wait3A_387 = arith.constant 0 : i32
          %dma_wait3A_388 = arith.constant 0 : i32
          %dma_wait3A_389 = tpu.memref_slice %arg4[%dma_wait3A_387, %mul3A_381, %dma_wait3A_388] : memref<4x4096x1024xf32, #tpu.memory_space<hbm>> -> memref<4x4x1024xf32, #tpu.memory_space<hbm>>
          %dma_wait3A_390 = tpu.memref_slice %run_scoped3A_11[%rem3A_379] : memref<2x!tpu.dma_semaphore, #tpu.memory_space<semaphore_mem>> -> memref<1x!tpu.dma_semaphore, #tpu.memory_space<semaphore_mem>>
          %dma_wait3A_391 = tpu.memref_squeeze %dma_wait3A_390 : memref<1x!tpu.dma_semaphore, #tpu.memory_space<semaphore_mem>> -> memref<!tpu.dma_semaphore, #tpu.memory_space<semaphore_mem>>
          %dma_wait3A_392 = arith.constant 0 : i32
          %dma_wait3A_393 = arith.constant 0 : i32
          %dma_wait3A_394 = tpu.memref_slice %arg4[%dma_wait3A_392, %mul3A_381, %dma_wait3A_393] : memref<4x4096x1024xf32, #tpu.memory_space<hbm>> -> memref<4x4x1024xf32, #tpu.memory_space<hbm>>
          %dma_wait3A_395 = arith.constant 0 : i32
          %dma_wait3A_396 = arith.constant 0 : i32
          %dma_wait3A_397 = arith.constant 0 : i32
          %dma_wait3A_398 = tpu.memref_slice %run_scoped3A_10[%rem3A_379, %dma_wait3A_395, %dma_wait3A_396, %dma_wait3A_397] : memref<2x4x4x1024xf32, #tpu.memory_space<vmem>> -> memref<1x4x4x1024xf32, #tpu.memory_space<vmem>>
          %dma_wait3A_399 = tpu.memref_squeeze %dma_wait3A_398 : memref<1x4x4x1024xf32, #tpu.memory_space<vmem>> -> memref<4x4x1024xf32, #tpu.memory_space<vmem>>
          tpu.wait_dma2 semaphore(%dma_wait3A_391 : memref<!tpu.dma_semaphore, #tpu.memory_space<semaphore_mem>>) src(%dma_wait3A_399 : memref<4x4x1024xf32, #tpu.memory_space<vmem>>) dst(%dma_wait3A_394 : memref<4x4x1024xf32, #tpu.memory_space<hbm>>)
          "tpu.trace_stop"() : () -> ()
        } else {
        }
        %and3A_347 = arith.constant true
        %and3A_348 = arith.andi %and3A_343, %and3A_347 : i1
        %add3A_349 = arith.constant 1 : i32
        %add3A_350 = arith.addi %scan3A_163, %add3A_349 : i32
        %select_n3A_351 = arith.select %and3A_348, %add3A_350, %scan3A_163 : i32
        %ne3A_352 = arith.cmpi ne, %add3A_169, %add3A_187 : i32
        %or3A_353 = arith.constant false
        %or3A_354 = arith.ori %or3A_353, %ne3A_352 : i1
        %or3A_355 = arith.constant false
        %or3A_356 = arith.ori %or3A_354, %or3A_355 : i1
        %or3A_357 = arith.ori %or3A_356, %eq3A_168 : i1
        %add3A_358 = arith.constant 1 : i32
        %add3A_359 = arith.addi %scan3A_159, %add3A_358 : i32
        %select_n3A_360 = arith.select %or3A_357, %add3A_359, %scan3A_159 : i32
        %ne3A_361 = arith.cmpi ne, %add3A_169, %add3A_187 : i32
        %or3A_362 = arith.constant false
        %or3A_363 = arith.ori %or3A_362, %ne3A_361 : i1
        %or3A_364 = arith.constant false
        %or3A_365 = arith.ori %or3A_363, %or3A_364 : i1
        %or3A_366 = arith.ori %or3A_365, %eq3A_168 : i1
        %add3A_367 = arith.constant 1 : i32
        %add3A_368 = arith.addi %scan3A_161, %add3A_367 : i32
        %select_n3A_369 = arith.select %or3A_366, %add3A_368, %scan3A_161 : i32
        %add3A_370 = arith.constant 1 : i32
        %add3A_371 = arith.addi %scan3A_164, %add3A_370 : i32
        %select_n3A_372 = arith.constant true
        %select_n3A_373 = arith.select %select_n3A_372, %add3A_371, %scan3A_164 : i32
        %eq3A_374 = arith.constant 32 : i32
        %eq3A_375 = arith.cmpi eq, %select_n3A_373, %eq3A_374 : i32
        %select_n3A_376 = arith.constant 0 : i32
        %select_n3A_377 = arith.select %eq3A_375, %select_n3A_376, %select_n3A_373 : i32
        scf.yield %select_n3A_207, %select_n3A_360, %select_n3A_225, %select_n3A_369, %select_n3A_309, %select_n3A_351, %select_n3A_377 : i32, i32, i32, i32, i32, i32, i32
      }
      %scan3A_100 = arith.constant 32 : i32
      %sub3A = arith.constant 1 : i32
      %sub3A_101 = arith.subi %scan3A_99#6, %sub3A : i32
      %select_n3A_102 = arith.constant true
      %select_n3A_103 = arith.select %select_n3A_102, %sub3A_101, %scan3A_99#6 : i32
      %eq3A_104 = arith.constant -1 : i32
      %eq3A_105 = arith.cmpi eq, %select_n3A_103, %eq3A_104 : i32
      %select_n3A_106 = arith.constant 31 : i32
      %select_n3A_107 = arith.select %eq3A_105, %select_n3A_106, %select_n3A_103 : i32
      %add3A_108 = arith.addi %select_n3A_107, %mul3A_6 : i32
      %sub3A_109 = arith.constant 1 : i32
      %sub3A_110 = arith.subi %select_n3A_107, %sub3A_109 : i32
      %select_n3A_111 = arith.constant true
      %select_n3A_112 = arith.select %select_n3A_111, %sub3A_110, %select_n3A_107 : i32
      %eq3A_113 = arith.constant -1 : i32
      %eq3A_114 = arith.cmpi eq, %select_n3A_112, %eq3A_113 : i32
      %select_n3A_115 = arith.constant 31 : i32
      %select_n3A_116 = arith.select %eq3A_114, %select_n3A_115, %select_n3A_112 : i32
      %add3A_117 = arith.addi %select_n3A_116, %mul3A_6 : i32
      %add3A_118 = arith.constant 1 : i32
      %add3A_119 = arith.addi %select_n3A_107, %add3A_118 : i32
      %select_n3A_120 = arith.constant true
      %select_n3A_121 = arith.select %select_n3A_120, %add3A_119, %select_n3A_107 : i32
      %eq3A_122 = arith.constant 32 : i32
      %eq3A_123 = arith.cmpi eq, %select_n3A_121, %eq3A_122 : i32
      %select_n3A_124 = arith.constant 0 : i32
      %select_n3A_125 = arith.select %eq3A_123, %select_n3A_124, %select_n3A_121 : i32
      %add3A_126 = arith.addi %select_n3A_125, %mul3A_6 : i32
      %add3A_127 = arith.constant 1 : i32
      %add3A_128 = arith.addi %select_n3A_125, %add3A_127 : i32
      %select_n3A_129 = arith.constant true
      %select_n3A_130 = arith.select %select_n3A_129, %add3A_128, %select_n3A_125 : i32
      %eq3A_131 = arith.constant 32 : i32
      %eq3A_132 = arith.cmpi eq, %select_n3A_130, %eq3A_131 : i32
      %select_n3A_133 = arith.constant 0 : i32
      %select_n3A_134 = arith.select %eq3A_132, %select_n3A_133, %select_n3A_130 : i32
      %add3A_135 = arith.addi %select_n3A_134, %mul3A_6 : i32
      "tpu.trace_start"() <{level = 10 : i32, message = "ep_finalize"}> : () -> ()
      %rem3A_136 = arith.constant 2 : i32
      %rem3A_137 = arith.remui %scan3A_99#5, %rem3A_136 : i32
      %mul3A_138 = arith.constant 4 : i32
      %mul3A_139 = arith.muli %mul3A_138, %add3A_108 : i32
      %dma_wait3A = arith.constant 0 : i32
      %dma_wait3A_140 = arith.constant 0 : i32
      %dma_wait3A_141 = arith.constant 0 : i32
      %dma_wait3A_142 = tpu.memref_slice %run_scoped3A_10[%rem3A_137, %dma_wait3A, %dma_wait3A_140, %dma_wait3A_141] : memref<2x4x4x1024xf32, #tpu.memory_space<vmem>> -> memref<1x4x4x1024xf32, #tpu.memory_space<vmem>>
      %dma_wait3A_143 = tpu.memref_squeeze %dma_wait3A_142 : memref<1x4x4x1024xf32, #tpu.memory_space<vmem>> -> memref<4x4x1024xf32, #tpu.memory_space<vmem>>
      %dma_wait3A_144 = arith.constant 0 : i32
      %dma_wait3A_145 = arith.constant 0 : i32
      %dma_wait3A_146 = tpu.memref_slice %arg4[%dma_wait3A_144, %mul3A_139, %dma_wait3A_145] : memref<4x4096x1024xf32, #tpu.memory_space<hbm>> -> memref<4x4x1024xf32, #tpu.memory_space<hbm>>
      %dma_wait3A_147 = tpu.memref_slice %run_scoped3A_11[%rem3A_137] : memref<2x!tpu.dma_semaphore, #tpu.memory_space<semaphore_mem>> -> memref<1x!tpu.dma_semaphore, #tpu.memory_space<semaphore_mem>>
      %dma_wait3A_148 = tpu.memref_squeeze %dma_wait3A_147 : memref<1x!tpu.dma_semaphore, #tpu.memory_space<semaphore_mem>> -> memref<!tpu.dma_semaphore, #tpu.memory_space<semaphore_mem>>
      %dma_wait3A_149 = arith.constant 0 : i32
      %dma_wait3A_150 = arith.constant 0 : i32
      %dma_wait3A_151 = tpu.memref_slice %arg4[%dma_wait3A_149, %mul3A_139, %dma_wait3A_150] : memref<4x4096x1024xf32, #tpu.memory_space<hbm>> -> memref<4x4x1024xf32, #tpu.memory_space<hbm>>
      %dma_wait3A_152 = arith.constant 0 : i32
      %dma_wait3A_153 = arith.constant 0 : i32
      %dma_wait3A_154 = arith.constant 0 : i32
      %dma_wait3A_155 = tpu.memref_slice %run_scoped3A_10[%rem3A_137, %dma_wait3A_152, %dma_wait3A_153, %dma_wait3A_154] : memref<2x4x4x1024xf32, #tpu.memory_space<vmem>> -> memref<1x4x4x1024xf32, #tpu.memory_space<vmem>>
      %dma_wait3A_156 = tpu.memref_squeeze %dma_wait3A_155 : memref<1x4x4x1024xf32, #tpu.memory_space<vmem>> -> memref<4x4x1024xf32, #tpu.memory_space<vmem>>
      tpu.wait_dma2 semaphore(%dma_wait3A_148 : memref<!tpu.dma_semaphore, #tpu.memory_space<semaphore_mem>>) src(%dma_wait3A_156 : memref<4x4x1024xf32, #tpu.memory_space<vmem>>) dst(%dma_wait3A_151 : memref<4x4x1024xf32, #tpu.memory_space<hbm>>)
      "tpu.trace_stop"() : () -> ()
      tpu.yield
    }) : () -> ()
    return
  }
}

</mosaic_0001>

<sc_bundles>
// kernel: kernel.3.cloned.1.call-start
scs
__scs_entry_jumppad:
0x0: {  	(pc) =	sbr.rel $0x88, $3  }
0x1: {  	(tag) =	ssettag $0x0;
	lr =	simm.s32 $0x1  }
0x2: {  	[smem:$0x3F9F] =	sst lr;
	_ =	strace $0xD0000000  }
0x3: {  	_ = 	snop  }
0x4: {  	_ = 	snop  }
0x5: {  	_ = 	snop  }
0x6: {  	_ = 	snop  }
0x7: {  	_ = 	snop  }
__scs_overlays_trampoline_lowered:
0x8: {  	[smem:$0x3FAE] =	sst s0  }
0x9: {  	[smem:$0x3FAF] =	sst s1  }
0xa: {  	[smem:$0x3FB0] =	sst s2  }
0xb: {  	[smem:$0x3FB1] =	sst s3  }
0xc: {  	[smem:$0x3FB2] =	sst s4  }
0xd: {  	[smem:$0x3FB3] =	sst s5  }
0xe: {  	[smem:$0x3FB4] =	sst s6  }
0xf: {  	[smem:$0x3FB5] =	sst s7  }
0x10: {  	[smem:$0x3FB6] =	sst s8  }
0x11: {  	[smem:$0x3FB7] =	sst s9;
	s0 =	simm.s32 @!p0 $0x0  }
0x12: {  	s1 =	sld [smem:$0x3F9D];
	s0 =	simm.s32 @p0 $0x1  }
0x13: {  	[smem:$0x3FB8] =	sst s0;
	s0 =	simm.s32 @!p1 $0x0  }
0x14: {  	s2 =	sld [smem:$0x3F9C];
	s0 =	simm.s32 @p1 $0x1  }
0x15: {  	[smem:$0x3FB9] =	sst s0;
	s0 =	simm.s32 @!p2 $0x0  }
0x16: {  	s3 =	sld [smem:$0x3FDB];
	s0 =	simm.s32 @p2 $0x1  }
0x17: {  	s4 =	simm.s32 $0x1BF5;
	[smem:$0x3FBB] =	sst s0  }
0x18: {  	s0 =	sld [smem:$0x3F9E];
	_ =	swait.ge [sflag:s4], $0x0  }
0x19: {  	s7 =	sld [smem:$0x3F9F]  }
0x1a: {  	s8 =	sadd.s32 $0xFFFFE003, lr  }
0x1b: {  	s9 =	sadd.s32 $0xFFFFFEF7, lr;
	s5 =	simm.s32 $0xFFFFFFFF;
	p2 =	slt.u32 s8, $0xFFFFF086  }
0x1c: {  	p1 =	slt.u32 s9, $0xF7A;
	s5 =	simm.s32 @!p2 $0x0  }
0x1d: {  	s5 =	simm.s32 @p1 $0x1;
	p0 =	seq.s32 s7, s2  }
0x1e: {  	s7 =	smul.u32 @!p0 $0xF7A, s2;
	p2 =	seq.s32 @!p0 s5, $0x0  }
0x1f: {  	s9 =	smul.u32 $0xF7A, s1;
	s8 =	simm.s32 @!p0 $0x1BF5;
	p2 =	por !p2, p0  }
0x20: {  	[sflag:s8] =	ssyncset.s32 @!p0 $0xFFFFF086;
	s6 =	sadd.s32 @!p0 s3, s7;
	s7 =	simm.s32 @!p0 $0x108  }
0x21: {  	s3 =	sadd.s32 s3, s9;
	s6 =	sadd.s32 @!p0 $0x88, s6;
	s7 =	simm.s32 @p2 $0x1082  }
0x22: {  	[simem:s7], [sflag:s8] =	dma.local @!p0 [hbm:s6], $0xF7A  }
0x23: {  	s9 =	sor.u32 $0xD0000000, s2;
	s6 =	simm.s32 $0x108;
	_ =	swait.ge @!p0 [sflag:s8], $0x0  }
0x24: {  	s3 =	sadd.s32 $0x88, s3;
	s6 =	simm.s32 @!p1 $0x1082;
	[sflag:s4] =	ssyncset.s32 $0xFFFFF086  }
0x25: {  	[simem:s6], [sflag:s4] =	dma.local [hbm:s3], $0xF7A  }
0x26: {  	[smem:$0x3F9F] =	sst s1;
	(tag) =	ssettag s2;
	_ =	strace s9  }
0x27: {  	s1 =	sld [smem:$0x3FAF]  }
0x28: {  	s2 =	sld [smem:$0x3FB0]  }
0x29: {  	s4 =	sld [smem:$0x3FB2]  }
0x2a: {  	p0 =	seq.s32 s5, $0x0;
	s5 =	sld [smem:$0x3FB3]  }
0x2b: {  	s6 =	sld [smem:$0x3FB4]  }
0x2c: {  	s7 =	sld [smem:$0x3FB5]  }
0x2d: {  	s3 =	simm.s32 $0x108;
	s8 =	sld [smem:$0x3FB6]  }
0x2e: {  	s3 =	simm.s32 @!p0 $0x1082;
	s9 =	sld [smem:$0x3FB7]  }
0x2f: {  	lr =	sadd.s32 s0, s3;
	s0 =	sld [smem:$0x3FAE]  }
0x30: {  	s3 =	sld [smem:$0x3FB1]  }
0x31: {  	[smem:$0x3FBA] =	sst s10  }
0x32: {  	s10 =	sld [smem:$0x3FB8];
	_ =	sdelay $0x3  }
0x33: {  	p0 =	seq.s32 s10, $0x1;
	s10 =	sld [smem:$0x3FBA];
	_ =	sdelay $0x3  }
0x34: {  	[smem:$0x3FBA] =	sst s10  }
0x35: {  	s10 =	sld [smem:$0x3FB9];
	_ =	sdelay $0x3  }
0x36: {  	p1 =	seq.s32 s10, $0x1;
	s10 =	sld [smem:$0x3FBA];
	_ =	sdelay $0x3  }
0x37: {  	[smem:$0x3FBA] =	sst s10  }
0x38: {  	s10 =	sld [smem:$0x3FBB]  }
0x39: {  	_ = 	snop;
	(pc) =	sbr.ind lr, $3  }
0x3a: {  	_ = 	snop  }
0x3b: {  	_ = 	snop  }
0x3c: {  	p2 =	seq.s32 s10, $0x1;
	s10 =	sld [smem:$0x3FBA]  }
0x3d: {  	_ =	shalt  }
0x3e: {  	_ =	shalt  }
0x3f: {  	_ =	shalt  }
0x40: {  	_ =	shalt  }
0x41: {  	_ =	shalt  }
0x42: {  	_ =	shalt  }
0x43: {  	_ =	shalt  }
0x44: {  	_ =	shalt  }
0x45: {  	_ =	shalt  }
0x46: {  	_ =	shalt  }
0x47: {  	_ =	shalt  }
0x48: {  	_ =	shalt  }
0x49: {  	_ =	shalt  }
0x4a: {  	_ =	shalt  }
0x4b: {  	_ =	shalt  }
0x4c: {  	_ =	shalt  }
0x4d: {  	_ =	shalt  }
0x4e: {  	_ =	shalt  }
0x4f: {  	_ =	shalt  }
0x50: {  	_ =	shalt  }
0x51: {  	_ =	shalt  }
0x52: {  	_ =	shalt  }
0x53: {  	_ =	shalt  }
0x54: {  	_ =	shalt  }
0x55: {  	_ =	shalt  }
0x56: {  	_ =	shalt  }
0x57: {  	_ =	shalt  }
0x58: {  	_ =	shalt  }
0x59: {  	_ =	shalt  }
0x5a: {  	_ =	shalt  }
0x5b: {  	_ =	shalt  }
0x5c: {  	_ =	shalt  }
0x5d: {  	_ =	shalt  }
0x5e: {  	_ =	shalt  }
0x5f: {  	_ =	shalt  }
0x60: {  	_ =	shalt  }
0x61: {  	_ =	shalt  }
0x62: {  	_ =	shalt  }
0x63: {  	_ =	shalt  }
0x64: {  	_ =	shalt  }
0x65: {  	_ =	shalt  }
0x66: {  	_ =	shalt  }
0x67: {  	_ =	shalt  }
0x68: {  	_ =	shalt  }
0x69: {  	_ =	shalt  }
0x6a: {  	_ =	shalt  }
0x6b: {  	_ =	shalt  }
0x6c: {  	_ =	shalt  }
0x6d: {  	_ =	shalt  }
0x6e: {  	_ =	shalt  }
0x6f: {  	_ =	shalt  }
0x70: {  	_ =	shalt  }
0x71: {  	_ =	shalt  }
0x72: {  	_ =	shalt  }
0x73: {  	_ =	shalt  }
0x74: {  	_ =	shalt  }
0x75: {  	_ =	shalt  }
0x76: {  	_ =	shalt  }
0x77: {  	_ =	shalt  }
0x78: {  	_ =	shalt  }
0x79: {  	_ =	shalt  }
0x7a: {  	_ =	shalt  }
0x7b: {  	_ =	shalt  }
0x7c: {  	_ =	shalt  }
0x7d: {  	_ =	shalt  }
0x7e: {  	_ =	shalt  }
0x7f: {  	_ =	shalt  }
0x80: {  	_ =	shalt  }
0x81: {  	_ =	shalt  }
0x82: {  	_ =	shalt  }
0x83: {  	_ =	shalt  }
0x84: {  	_ =	shalt  }
0x85: {  	_ =	shalt  }
0x86: {  	_ =	shalt  }
0x87: {  	_ =	shalt  }
.Lfunc_end0:
.L_simem_size_0:
called_computation_lowered:
.L_overlay_start_0:
0x88: {  	s2 =	sld [smem:$0x3FD9]  }
0x89: {  	s3 =	sld [smem:$0x3FFE];
	_ =	sdelay $0x1  }
0x8a: {  	s1 =	srdreg.scid  }
0x8b: {  	s0 =	sand.u32 $0x1, s1  }
0x8c: {  	s18 =	sshll.u32 s0, $0xA;
	s2 =	sadd.s32 s3, s2  }
0x8d: {  	s2 =	sadd.s32 s2, s18  }
0x8e: {  	[smem:$0x3FC6] =	sst s2  }
0x8f: {  	_ = 	snop  }
0x90: {  	s2 =	sld [smem:$0x3FC9]  }
0x91: {  	s19 =	sld [smem:$0x3FC8]  }
0x92: {  	s4 =	sld [smem:$0x3FD0];
	(tm) =	ssettm $0x1  }
0x93: {  	s5 =	sld [smem:$0x3FFB];
	_ =	sdelay $0x3  }
0x94: {  	_ =	strace s5  }
0x95: {  	s5 =	sld [smem:$0x3FFC];
	_ =	sdelay $0x3  }
0x96: {  	_ =	strace s5  }
0x97: {  	s5 =	sld [smem:$0x3FFD];
	_ =	sdelay $0x3  }
0x98: {  	_ =	strace s5  }
0x99: {  	_ =	strace $0x8FFFFFFF  }
0x9a: {  	s20 =	sld [smem:$0x3FDB];
	_ =	sdelay $0x1  }
0x9b: {  	s6 =	simm.s32 $_scs_section_size  }
0x9c: {  	s7 =	simm.s32 $_size__tile_overlayer_lowered;
	s8 =	simm.s32 $_tile_overlayer_lowered  }
0x9d: {  	s23 =	simm.s32 $0x1BFF;
	s22 =	sshll.u32 s8, $0x1;
	s5 =	sadd.s32 s6, s20  }
0x9e: {  	s9 =	simm.s32 $0x0;
	s21 =	sshll.u32 s7, $0x1;
	s7 =	sadd.s32 s22, s5  }
0x9f: {  	[timem:s9], [sflag:s23] =	dma.local [hbm:s7], s21  }
0xa0: {  	_ =	swait.ge [sflag:s23], s21  }
0xa1: {  	s6 =	ssub.s32 $0x0, s21;
	[sflag:s23] =	ssyncset.done $0x0  }
0xa2: {  	[sflag:s23] =	ssyncadd.s32 s6;
	_ =	sdelay $0x1  }
0xa3: {  	s24 =	simm.s32 $0x1B8B  }
0xa4: {  	_ =	swait.ge [sflag:s24], $0x1  }
0xa5: {  	[sflag:s24] =	ssyncset.done $0x0  }
0xa6: {  	s25 =	simm.s32 $0x1B8E;
	[sflag:s24] =	ssyncadd.s32 $0xFFFFFFFF  }
0xa7: {  	s26 =	simm.s32 $execute0_lowered;
	[smem:$0x3FD2] =	sst s25  }
0xa8: {  	s6 =	sshll.u32 s26, $0x1;
	_ =	strace $0x80000046;
	[dreg:$0x1] =	wrdreg $0xFFFFFFFF  }
0xa9: {  	s28 =	simm.s32 $_size_execute0_lowered;
	s5 =	sadd.s32 s5, s6;
	[dreg:$0x0] =	wrdreg $0x0  }
0xaa: {  	s6 =	sshll.u32 s28, $0x1;
	[dreg:$0x2] =	wrdreg s5  }
0xab: {  	[dreg:$0x3] =	wrdreg s6  }
0xac: {  	[dreg:$0x4] =	wrdreg $0xC0  }
0xad: {  	_ =	task [dreg:s9], $0x5FFFF  }
0xae: {  	[dreg:$0x1] =	wrdreg $0xFFFFFFFF  }
0xaf: {  	[dreg:$0x0] =	wrdreg $0x60  }
0xb0: {  	[dreg:$0x2] =	wrdreg s2  }
0xb1: {  	[dreg:$0x3] =	wrdreg s19  }
0xb2: {  	[dreg:$0x4] =	wrdreg s4  }
0xb3: {  	[dreg:$0x5] =	wrdreg $0x9  }
0xb4: {  	_ =	task.clear_ibuf [dreg:s9], $0x6FFFF;
	_ =	strace $0x90000046  }
0xb5: {  	s29 =	simm.s32 $0x9;
	_ =	strace $0x80000051  }
0xb6: {  	_ =	swait.ge [sflag:s29], $0x1  }
0xb7: {  	[sflag:s29] =	ssyncadd.s32 $0xFFFFFFFF  }
0xb8: {  	_ =	strace $0x90000051  }
0xb9: {  	_ =	sfence  }
0xba: {  	s30 =	sld [smem:$0x0];
	_ =	sdelay $0x2  }
0xbb: {  	s31 =	sshll.u32 s1, $0xD;
	s1 =	sshrl.u32 s1, $0x2  }
0xbc: {  	s3 =	sand.u32 $0x4000, s31;
	s1 =	sadd.s32 s1, s30  }
0xbd: {  	s0 =	sor.u32 s3, s0;
	s1 =	sshll.u32 s1, $0x11  }
0xbe: {  	s0 =	sor.u32 s1, s0  }
0xbf: {  	s0 =	sadd.s32 $0x8F2B, s0  }
0xc0: {  	[sflag:s0] =	ssyncadd.remote.s32 $0x1  }
0xc1: {  	_ =	sfence.sel $0xFFFF  }
0xc2: {  	[dreg:$0x0] =	wrdreg $0xFFFFFFFF;
	(pc) =	sbr.abs _section_cstart, $3  }
0xc3: {  	[dreg:$0x1] =	wrdreg $0xFFFFFFFF  }
0xc4: {  	_ =	task.clear_ibuf [dreg:s9], $0x2FFFF;
	_ =	strace $0x9FFFFFFF  }
0xc5: {  	(tm) =	ssettm $0x7FFFFFFF  }
tec
execute0_lowered:
.L_overlay_start_1:
0x0: {  	(tag) =	ssettag $0x1  }
0x1: {  	s0 =	srdreg.scid  }
0x2: {  	s1 =	rddreg [dreg:$0x0];
	s0 =	sand.u32 $0x1, s0  }
0x3: {  	s2 =	stileid.u32;
	s4 =	ssub.s32 $0x2, s0;
	s0 =	sshll.u32 s0, $0x4  }
0x4: {  	s7 =	rddreg [dreg:$0x1];
	s0 =	sor.u32 s2, s0  }
0x5: {  	s3 =	simm.s32 $0x0;
	s5 =	sshrl.u32 s4, $0x1;
	s25 =	sshll.u32 s0, $0xE  }
0x6: {  	[smem:$0x7FF] =	sst s3;
	s4 =	ssub.s32 s4, s5;
	s28 =	sadd.s32 s7, s25  }
0x7: {  	_ =	strace $0x80000047;
	s29 =	smax.u32 s4, $0x1;
	[dreg:$0x5] =	wrdreg s28  }
0x8: {  	s26 =	sadd.s32 s1, s25;
	[dreg:$0x6] =	wrdreg s29  }
0x9: {  	s30 =	sadd.s32 $0x80000, s26;
	[dreg:$0x4] =	wrdreg s26  }
0xa: {  	s3 =	smov.u32 s7;
	s31 =	sadd.s32 $0x100000, s26;
	[dreg:$0x7] =	wrdreg s30  }
0xb: {  	s6 =	sshll.u32 s0, $0x5;
	s0 =	sadd.s32 $0x180000, s26;
	[dreg:$0x8] =	wrdreg s31  }
0xc: {  	s2 =	smov.u32 s1;
	s1 =	simm.s32 $0x0;
	[dreg:$0x9] =	wrdreg s0  }
.LBB2_1:
0xd: {  	[dreg:$0xa] =	wrdreg s1  }
0xe: {  	_ =	strace $0x80000048  }
0xf: {  	s0 =	simm.s32 $0x0;
	s4 =	simm.s32 $0x200;
	s20 =	rddreg [dreg:$0x4]  }
0x10: {  	s5 =	simm.s32 $0x400;
	s22 =	simm.s32 $0x1000;
	s21 =	rddreg [dreg:$0x7]  }
0x11: {  	[tilespmem:s0], [sflag:$0x1] =	stream.strided.gather [hbm4b:s20+s4], $0x1000, s5, s4, $0x200038;
	[tilespmem:$0x12000] =	vst v63  }
0x12: {  	s24 =	simm.s32 $0x2000;
	s26 =	simm.s32 $0x3000;
	s23 =	rddreg [dreg:$0x8]  }
0x13: {  	[tilespmem:s22], [sflag:$0x1] =	stream.strided.gather [hbm4b:s21+s4], $0x1000, s5, s4, $0x200038;
	[tilespmem:$0x12000] =	vst v63  }
0x14: {  	s31 =	simm.s32 $0x8000;
	s30 =	simm.s32 $0x0;
	s25 =	rddreg [dreg:$0x9]  }
0x15: {  	[tilespmem:s24], [sflag:$0x1] =	stream.strided.gather [hbm4b:s23+s4], $0x1000, s5, s4, $0x200038;
	[tilespmem:$0x12000] =	vst v63  }
0x16: {  	s28 =	simm.s32 $0x0;
	s29 =	rddreg [dreg:$0x5];
	s21 =	simm.s32 $0x0  }
0x17: {  	[tilespmem:s26], [sflag:$0x1] =	stream.strided.gather [hbm4b:s25+s4], $0x1000, s5, s4, $0x200038;
	[tilespmem:$0x12000] =	vst v63  }
0x18: {  	s22 =	simm.s32 $0x0;
	s23 =	simm.s32 $0x0;
	s24 =	simm.s32 $0x1  }
0x19: {  	[tilespmem:s31], [sflag:$0x3] =	stream.strided.gather [hbm4b:s29+s4], $0x1000, s5, s4, $0x200038;
	[tilespmem:$0x12000] =	vst v63  }
0x1a: {  	s25 =	simm.s32 $0x0;
	s26 =	simm.s32 $0x1;
	_ =	strace $0x90000048  }
.LBB2_2:
0x1b: {  	s29 =	sadd.s32 $0x1, s30  }
0x1c: {  	p0 =	seq.s32 s29, $0x20  }
0x1d: {  	s29 =	simm.s32 @p0 $0x0;
	p0 =	seq.s32 s28, $0x1F  }
0x1e: {  	p1 =	seq.s32 @!p0 s30, s29  }
0x1f: {  	p2 =	por p1, p0  }
0x20: {  	s0 =	sadd.s32 @!p2 s6, s29  }
0x21: {  	s4 =	sshll.u32 @!p2 s29, $0x9;
	s0 =	sshll.u32 @!p2 s0, $0xC  }
0x22: {  	s4 =	sand.u32 @!p2 $0x200, s4;
	s0 =	sand.u32 @!p2 $0xFFFFE000, s0  }
0x23: {  	_ =	strace @!p2 $0x80000049;
	s7 =	sand.u32 @!p2 $0x1, s26;
	s0 =	sor.u32 @!p2 s4, s0  }
0x24: {  	s9 =	simm.s32 @!p2 $0x200;
	s10 =	simm.s32 @!p2 $0x400;
	s0 =	sshrl.u32 @!p2 s0, $0x3  }
0x25: {  	s4 =	sadd.s32 @!p2 $0x1, s7;
	s7 =	sshll.u32 @!p2 s7, $0xE;
	s8 =	sadd.s32 @!p2 s2, s0  }
0x26: {  	[tilespmem:s7], [sflag:s4] =	stream.strided.gather @!p2 [hbm4b:s8+s9], $0x1000, s10, s9, $0x200038;
	[tilespmem:$0x12000] =	vst v63  }
0x27: {  	s12 =	sor.u32 @!p2 $0x1000, s7;
	s11 =	sadd.s32 @!p2 $0x80000, s8  }
0x28: {  	[tilespmem:s12], [sflag:s4] =	stream.strided.gather @!p2 [hbm4b:s11+s9], $0x1000, s10, s9, $0x200038;
	[tilespmem:$0x12000] =	vst v63  }
0x29: {  	s11 =	sadd.s32 @!p2 $0x100000, s8;
	s12 =	sor.u32 @!p2 $0x2000, s7  }
0x2a: {  	[tilespmem:s12], [sflag:s4] =	stream.strided.gather @!p2 [hbm4b:s11+s9], $0x1000, s10, s9, $0x200038;
	[tilespmem:$0x12000] =	vst v63  }
0x2b: {  	s8 =	sadd.s32 @!p2 $0x180000, s8;
	s7 =	sor.u32 @!p2 $0x3000, s7  }
0x2c: {  	[tilespmem:s7], [sflag:s4] =	stream.strided.gather @!p2 [hbm4b:s8+s9], $0x1000, s10, s9, $0x200038;
	[tilespmem:$0x12000] =	vst v63  }
0x2d: {  	s4 =	sand.u32 @!p2 $0x1, s24  }
0x2e: {  	s0 =	sadd.s32 @!p2 s3, s0;
	_ =	strace @!p2 $0x90000049;
	s7 =	sshll.u32 @!p2 s4, $0xC  }
0x2f: {  	s4 =	sadd.s32 @!p2 $0x3, s4;
	_ =	strace @!p2 $0x8000004A;
	s7 =	sor.u32 @!p2 $0x8000, s7  }
0x30: {  	[tilespmem:s7], [sflag:s4] =	stream.strided.gather @!p2 [hbm4b:s0+s9], $0x1000, s10, s9, $0x200038;
	[tilespmem:$0x12000] =	vst v63  }
0x31: {  	s16 =	sand.u32 $0x1, s25;
	_ =	strace @!p2 $0x9000004A  }
0x32: {  	s0 =	sadd.s32 $0x1, s16;
	_ =	strace $0x8000004B  }
0x33: {  	_ =	swait.ge [sflag:s0], $0x4000  }
0x34: {  	[sflag:s0] =	ssyncset.done $0x0  }
0x35: {  	s5 =	smov.u32 s26;
	[sflag:s0] =	ssyncadd.s32 $0xFFFFC000  }
0x36: {  	s17 =	sand.u32 $0x1, s23;
	p1 =	por !p1, p0;
	_ =	strace $0x9000004B  }
0x37: {  	s7 =	sadd.s32 @!p2 $0x1, s26;
	s4 =	sadd.s32 $0x3, s17;
	_ =	strace $0x8000004C  }
0x38: {  	s31 =	simm.s32 $0x0;
	s26 =	smov.u32 @p1 s7;
	_ =	swait.ge [sflag:s4], $0x1000  }
0x39: {  	s26 =	smov.u32 @p0 s5;
	s5 =	sand.u32 $0x1, s22;
	[sflag:s4] =	ssyncset.done $0x0  }
0x3a: {  	s18 =	sshll.u32 s23, $0xC;
	[sflag:s4] =	ssyncadd.s32 $0xFFFFF000;
	s4 =	sshll.u32 s5, $0xE  }
0x3b: {  	s19 =	sshll.u32 s25, $0xE;
	s20 =	sand.u32 $0x1000, s18;
	s13 =	sor.u32 $0xA000, s4  }
0x3c: {  	s15 =	sor.u32 $0x8000, s20;
	s31 =	simm.s32 @p1 $0x1;
	s7 =	sand.u32 $0x4000, s19;
	v1 =	vmov s13  }
0x3d: {  	s18 =	sor.u32 $0x8100, s20;
	s31 =	simm.s32 @p0 $0x0;
	s12 =	simm.s32 $0x0;
	v0 =	vmov s7  }
0x3e: {  	s8 =	sor.u32 $0x8180, s20;
	s17 =	sor.u32 $0x8080, s20;
	_ =	strace $0x9000004C  }
0x3f: {  	s9 =	simm.s32 $0x0;
	s0 =	sadd.s32 s6, s30;
	_ =	strace $0x8000004D  }
.LBB2_3:
0x40: {  	_ = 	snop  }
0x41: {  	s14 =	sshll.u32 s12, $0xC;
	s7 =	sand.u32 $0xE00, s9  }
0x42: {  	s10 =	sand.u32 $0x70, s9;
	s11 =	sor.u32 s14, s7  }
0x43: {  	s7 =	sadd.s32 s7, s15;
	s16 =	sor.u32 s10, s11  }
0x44: {  	s7 =	sadd.s32 s10, s7;
	v2 =	vld.idx.msk [tilespmem:v0+s16+$0x0 ss:$0x1], $0xffff  }
0x45: {  	v3 =	vld [tilespmem:s7+$0x0];
	_ =	sdelay $0x3  }
0x46: {  	s7 =	simm.s32 $0x40  }
0x47: {  	s19 =	simm.s32 $0x20;
	s10 =	simm.s32 $0x10;
	s11 =	sand.u32 $0xE00, s7;
	v2 =	vadd.f32 v3, v2  }
.LBB2_4:
0x48: {  	p1 =	sne.s32 s19, $0x3F0;
	s20 =	sand.u32 $0x70, s10;
	s10 =	sor.u32 s14, s11  }
0x49: {  	s11 =	sadd.s32 s11, s15;
	[tilespmem:v1+s16+$0x0 ss:$0x1] =	vst.idx.msk $0xffff, v2;
	s16 =	sor.u32 s20, s10;
	s10 =	smov.u32 s19  }
0x4a: {  	s11 =	sadd.s32 s20, s11;
	v2 =	vld.idx.msk [tilespmem:v0+s16+$0x0 ss:$0x1], $0xffff  }
0x4b: {  	v3 =	vld [tilespmem:s11+$0x0]  }
.Ltmp0:
0x4c: {  	(pc) =	sbr.rel @p1 .LBB2_4-.Ltmp0, $3  }
0x4d: {  	_ =	sdelay $0x1  }
0x4e: {  	s7 =	sadd.s32 $0x40, s7  }
0x4f: {  	s19 =	sadd.s32 $0x10, s19;
	s11 =	sand.u32 $0xE00, s7;
	v2 =	vadd.f32 v3, v2  }
0x50: {  	_ =	sdelay $0x2  }
0x51: {  	s7 =	sand.u32 $0x70, s10;
	s20 =	sor.u32 s14, s11  }
0x52: {  	s1 =	sadd.s32 s11, s15;
	s10 =	sor.u32 s7, s20;
	[tilespmem:v1+s16+$0x0 ss:$0x1] =	vst.idx.msk $0xffff, v2  }
0x53: {  	s7 =	sadd.s32 s7, s1;
	v2 =	vld.idx.msk [tilespmem:v0+s10+$0x0 ss:$0x1], $0xffff  }
0x54: {  	v3 =	vld [tilespmem:s7+$0x0];
	_ =	sdelay $0x3  }
0x55: {  	s19 =	simm.s32 $0x0  }
0x56: {  	s16 =	sor.u32 $0x80, s14;
	s20 =	sand.u32 $0xE00, s19;
	v2 =	vadd.f32 v3, v2  }
0x57: {  	s19 =	sand.u32 $0x70, s19;
	s1 =	sor.u32 s16, s20  }
0x58: {  	s20 =	sadd.s32 s20, s17;
	s7 =	sor.u32 s19, s1;
	[tilespmem:v1+s10+$0x0 ss:$0x1] =	vst.idx.msk $0xffff, v2  }
0x59: {  	s10 =	sadd.s32 s19, s20;
	v2 =	vld.idx.msk [tilespmem:v0+s7+$0x0 ss:$0x1], $0xffff  }
0x5a: {  	v3 =	vld [tilespmem:s10+$0x0];
	_ =	sdelay $0x3  }
0x5b: {  	s19 =	simm.s32 $0x40  }
0x5c: {  	s11 =	simm.s32 $0x10;
	s20 =	sand.u32 $0xE00, s19;
	s10 =	simm.s32 $0x20;
	v2 =	vadd.f32 v3, v2  }
.LBB2_6:
0x5d: {  	p1 =	sne.s32 s10, $0x3F0;
	s1 =	sand.u32 $0x70, s11;
	s11 =	sor.u32 s16, s20  }
0x5e: {  	s20 =	sadd.s32 s20, s17;
	[tilespmem:v1+s7+$0x0 ss:$0x1] =	vst.idx.msk $0xffff, v2;
	s7 =	sor.u32 s1, s11;
	s11 =	smov.u32 s10  }
0x5f: {  	s1 =	sadd.s32 s1, s20;
	v2 =	vld.idx.msk [tilespmem:v0+s7+$0x0 ss:$0x1], $0xffff  }
0x60: {  	v3 =	vld [tilespmem:s1+$0x0]  }
.Ltmp1:
0x61: {  	(pc) =	sbr.rel @p1 .LBB2_6-.Ltmp1, $3  }
0x62: {  	_ =	sdelay $0x1  }
0x63: {  	s19 =	sadd.s32 $0x40, s19  }
0x64: {  	s20 =	sand.u32 $0xE00, s19;
	s10 =	sadd.s32 $0x10, s10;
	v2 =	vadd.f32 v3, v2  }
0x65: {  	_ =	sdelay $0x2  }
0x66: {  	s1 =	sand.u32 $0x70, s11;
	s10 =	sor.u32 s16, s20  }
0x67: {  	s16 =	sadd.s32 s20, s17;
	s10 =	sor.u32 s1, s10;
	[tilespmem:v1+s7+$0x0 ss:$0x1] =	vst.idx.msk $0xffff, v2  }
0x68: {  	s1 =	sadd.s32 s1, s16;
	v2 =	vld.idx.msk [tilespmem:v0+s10+$0x0 ss:$0x1], $0xffff  }
0x69: {  	v3 =	vld [tilespmem:s1+$0x0];
	_ =	sdelay $0x3  }
0x6a: {  	s19 =	simm.s32 $0x0  }
0x6b: {  	s16 =	sor.u32 $0x100, s14;
	s20 =	sand.u32 $0xE00, s19;
	v2 =	vadd.f32 v3, v2  }
0x6c: {  	s1 =	sand.u32 $0x70, s19;
	s19 =	sor.u32 s16, s20  }
0x6d: {  	s20 =	sadd.s32 s20, s18;
	s7 =	sor.u32 s1, s19;
	[tilespmem:v1+s10+$0x0 ss:$0x1] =	vst.idx.msk $0xffff, v2  }
0x6e: {  	s1 =	sadd.s32 s1, s20;
	v2 =	vld.idx.msk [tilespmem:v0+s7+$0x0 ss:$0x1], $0xffff  }
0x6f: {  	v3 =	vld [tilespmem:s1+$0x0];
	_ =	sdelay $0x3  }
0x70: {  	s19 =	simm.s32 $0x40  }
0x71: {  	s11 =	simm.s32 $0x10;
	s20 =	sand.u32 $0xE00, s19;
	s10 =	simm.s32 $0x20;
	v2 =	vadd.f32 v3, v2  }
.LBB2_8:
0x72: {  	p1 =	sne.s32 s10, $0x3F0;
	s1 =	sand.u32 $0x70, s11;
	s11 =	sor.u32 s16, s20  }
0x73: {  	s20 =	sadd.s32 s20, s18;
	[tilespmem:v1+s7+$0x0 ss:$0x1] =	vst.idx.msk $0xffff, v2;
	s7 =	sor.u32 s1, s11;
	s11 =	smov.u32 s10  }
0x74: {  	s1 =	sadd.s32 s1, s20;
	v2 =	vld.idx.msk [tilespmem:v0+s7+$0x0 ss:$0x1], $0xffff  }
0x75: {  	v3 =	vld [tilespmem:s1+$0x0]  }
.Ltmp2:
0x76: {  	(pc) =	sbr.rel @p1 .LBB2_8-.Ltmp2, $3  }
0x77: {  	_ =	sdelay $0x1  }
0x78: {  	s19 =	sadd.s32 $0x40, s19  }
0x79: {  	s20 =	sand.u32 $0xE00, s19;
	s10 =	sadd.s32 $0x10, s10;
	v2 =	vadd.f32 v3, v2  }
0x7a: {  	_ =	sdelay $0x2  }
0x7b: {  	s1 =	sand.u32 $0x70, s11;
	s10 =	sor.u32 s16, s20  }
0x7c: {  	s20 =	sadd.s32 s20, s18;
	s10 =	sor.u32 s1, s10;
	[tilespmem:v1+s7+$0x0 ss:$0x1] =	vst.idx.msk $0xffff, v2  }
0x7d: {  	s1 =	sadd.s32 s1, s20;
	v2 =	vld.idx.msk [tilespmem:v0+s10+$0x0 ss:$0x1], $0xffff  }
0x7e: {  	v3 =	vld [tilespmem:s1+$0x0];
	_ =	sdelay $0x3  }
0x7f: {  	s11 =	simm.s32 $0x0  }
0x80: {  	s14 =	sor.u32 $0x180, s14;
	s16 =	sand.u32 $0xE00, s11;
	v2 =	vadd.f32 v3, v2  }
0x81: {  	s1 =	sand.u32 $0x70, s11;
	s19 =	sor.u32 s14, s16  }
0x82: {  	s20 =	sadd.s32 s16, s8;
	s7 =	sor.u32 s1, s19;
	[tilespmem:v1+s10+$0x0 ss:$0x1] =	vst.idx.msk $0xffff, v2  }
0x83: {  	s1 =	sadd.s32 s1, s20;
	v2 =	vld.idx.msk [tilespmem:v0+s7+$0x0 ss:$0x1], $0xffff  }
0x84: {  	v3 =	vld [tilespmem:s1+$0x0];
	_ =	sdelay $0x3  }
0x85: {  	s16 =	simm.s32 $0x40  }
0x86: {  	s11 =	simm.s32 $0x10;
	s19 =	sand.u32 $0xE00, s16;
	s10 =	simm.s32 $0x20;
	v2 =	vadd.f32 v3, v2  }
.LBB2_10:
0x87: {  	p1 =	sne.s32 s10, $0x3F0;
	s1 =	sand.u32 $0x70, s11;
	s11 =	sor.u32 s14, s19  }
0x88: {  	s19 =	sadd.s32 s19, s8;
	[tilespmem:v1+s7+$0x0 ss:$0x1] =	vst.idx.msk $0xffff, v2;
	s7 =	sor.u32 s1, s11;
	s11 =	smov.u32 s10  }
0x89: {  	s1 =	sadd.s32 s1, s19;
	v2 =	vld.idx.msk [tilespmem:v0+s7+$0x0 ss:$0x1], $0xffff  }
0x8a: {  	v3 =	vld [tilespmem:s1+$0x0]  }
.Ltmp3:
0x8b: {  	(pc) =	sbr.rel @p1 .LBB2_10-.Ltmp3, $3  }
0x8c: {  	_ =	sdelay $0x1  }
0x8d: {  	s16 =	sadd.s32 $0x40, s16  }
0x8e: {  	s19 =	sand.u32 $0xE00, s16;
	s10 =	sadd.s32 $0x10, s10;
	v2 =	vadd.f32 v3, v2  }
0x8f: {  	_ =	sdelay $0x2  }
0x90: {  	s1 =	sand.u32 $0x70, s11;
	s10 =	sor.u32 s14, s19  }
0x91: {  	s20 =	sadd.s32 s19, s8;
	s10 =	sor.u32 s1, s10;
	[tilespmem:v1+s7+$0x0 ss:$0x1] =	vst.idx.msk $0xffff, v2  }
0x92: {  	s1 =	sadd.s32 s1, s20;
	v2 =	vld.idx.msk [tilespmem:v0+s10+$0x0 ss:$0x1], $0xffff  }
0x93: {  	v3 =	vld [tilespmem:s1+$0x0]  }
0x94: {  	s12 =	sadd.s32 $0x1, s12  }
0x95: {  	p1 =	sne.s32 s12, $0x4  }
.Ltmp4:
0x96: {  	_ = 	snop;
	(pc) =	sbr.rel @p1 .LBB2_3-.Ltmp4, $3  }
0x97: {  	_ = 	snop  }
0x98: {  	v2 =	vadd.f32 v3, v2;
	_ =	sdelay $0x1  }
0x99: {  	[tilespmem:v1+s10+$0x0 ss:$0x1] =	vst.idx.msk $0xffff, v2  }
0x9a: {  	p1 =	sne.s32 s30, s29  }
0x9b: {  	p0 =	por p0, p1  }
0x9c: {  	s0 =	sshll.u32 @p0 s0, $0xC;
	s1 =	sshll.u32 @p0 s30, $0x9  }
0x9d: {  	_ =	strace $0x9000004D;
	s0 =	sand.u32 @p0 $0xFFFFE000, s0;
	s1 =	sand.u32 @p0 $0x200, s1  }
0x9e: {  	_ =	strace @p0 $0x8000004E;
	s0 =	sor.u32 @p0 s1, s0  }
0x9f: {  	s1 =	sadd.s32 @p0 $0x5, s5;
	s5 =	rddreg [dreg:$0x2];
	s0 =	sshrl.u32 @p0 s0, $0x3  }
0xa0: {  	s7 =	simm.s32 @p0 $0x400;
	s0 =	sadd.s32 @p0 s5, s0;
	s5 =	simm.s32 @p0 $0x200  }
0xa1: {  	[hbm4b:s0+s5] =	stream.strided.scatter @p0 [tilespmem:s13], [sflag:s1], $0x1000, s7, s5, $0x200038;
	[tilespmem:$0x12000] =	vst v63  }
0xa2: {  	s8 =	sadd.s32 @p0 $0xB000, s4;
	s9 =	sadd.s32 @p0 $0x80000, s0  }
0xa3: {  	[hbm4b:s9+s5] =	stream.strided.scatter @p0 [tilespmem:s8], [sflag:s1], $0x1000, s7, s5, $0x200038;
	[tilespmem:$0x12000] =	vst v63  }
0xa4: {  	s8 =	sadd.s32 @p0 $0xC000, s4;
	s9 =	sadd.s32 @p0 $0x100000, s0  }
0xa5: {  	[hbm4b:s9+s5] =	stream.strided.scatter @p0 [tilespmem:s8], [sflag:s1], $0x1000, s7, s5, $0x200038;
	[tilespmem:$0x12000] =	vst v63  }
0xa6: {  	p1 =	seq.s32 s28, $0x0;
	s4 =	sadd.s32 @p0 $0xD000, s4;
	s0 =	sadd.s32 @p0 $0x180000, s0  }
0xa7: {  	[hbm4b:s0+s5] =	stream.strided.scatter @p0 [tilespmem:s4], [sflag:s1], $0x1000, s7, s5, $0x200038;
	[tilespmem:$0x12000] =	vst v63  }
0xa8: {  	s0 =	sand.u32 @!p1 $0x1, s21;
	_ =	strace @p0 $0x9000004E  }
0xa9: {  	s0 =	sadd.s32 @!p1 $0x5, s0;
	_ =	strace @!p1 $0x8000004F  }
0xaa: {  	s1 =	simm.s32 $0x1;
	_ =	swait.ge @!p1 [sflag:s0], $0x4000  }
0xab: {  	s1 =	simm.s32 @!p0 $0x0;
	p0 =	sne.s32 s28, $0x0;
	[sflag:s0] =	ssyncset.done @!p1 $0x0  }
0xac: {  	s28 =	sadd.s32 $0x1, s28;
	[sflag:s0] =	ssyncadd.s32 @!p1 $0xFFFFC000;
	s0 =	simm.s32 $0x1  }
0xad: {  	s0 =	simm.s32 @!p0 $0x0;
	p0 =	sne.s32 s28, $0x20  }
.Ltmp5:
0xae: {  	_ = 	snop;
	(pc) =	sbr.rel @p0 .LBB2_2-.Ltmp5, $4  }
0xaf: {  	_ = 	snop  }
0xb0: {  	s24 =	sadd.s32 s24, s31  }
0xb1: {  	s30 =	smov.u32 s29;
	s22 =	sadd.s32 s1, s22;
	s25 =	sadd.s32 s1, s25  }
0xb2: {  	s23 =	sadd.s32 s1, s23;
	_ =	strace @!p1 $0x9000004F;
	s21 =	sadd.s32 s0, s21  }
0xb3: {  	_ =	strace $0x80000050;
	s0 =	simm.s32 $0x6  }
0xb4: {  	_ =	swait.ge [sflag:s0], $0x4000  }
0xb5: {  	s1 =	rddreg [dreg:$0xa]  }
0xb6: {  	s31 =	rddreg [dreg:$0x6];
	s1 =	sadd.s32 $0x1, s1  }
0xb7: {  	p0 =	sne.s32 s1, s31  }
.Ltmp6:
0xb8: {  	_ = 	snop;
	(pc) =	sbr.rel @p0 .LBB2_1-.Ltmp6, $4  }
0xb9: {  	_ = 	snop  }
0xba: {  	[sflag:s0] =	ssyncset.done $0x0  }
0xbb: {  	[sflag:s0] =	ssyncadd.s32 $0xFFFFC000  }
0xbc: {  	_ =	strace $0x90000050  }
0xbd: {  	_ =	sfence.sel $0x180000  }
0xbe: {  	[bflag:$0x0] =	sbarrier.arrive $0xFFFF  }
0xbf: {  	_ =	strace $0x90000047  }
0xc0: {  	s0 =	stileid.u32;
	[bflag:$0x2] =	sbarrier.arrive $0xFFFF  }
0xc1: {  	p0 =	sne.s32 s0, $0x0;
	s0 =	rddreg [dreg:$0x3]  }
0xc2: {  	s0 =	sadd.s32 @!p0 $0x100000, s0  }
0xc3: {  	[sflag:s0] =	ssyncadd.tile.s32 @!p0 $0x1;
	_ =	shalt  }
.Lfunc_end2:
_tile_overlayer_lowered:
.L_overlay_start_2:
0xc4: {  	(tag) =	ssettag $0x2  }
0xc5: {  	s0 =	rddreg [dreg:$0x0];
	s2 =	stileid.u32  }
0xc6: {  	s1 =	rddreg [dreg:$0x1];
	p0 =	sne.s32 s2, $0x0  }
0xc7: {  	s3 =	rddreg [dreg:$0x2];
	[bflag:$0x3] =	sbarrier.arrive $0xFFFF;
	s2 =	simm.s32 @!p0 $0x1C01  }
0xc8: {  	[timem:s3], [sflag:s2] =	dma.local @!p0 [hbm:s0], s1  }
0xc9: {  	s0 =	simm.s32 @!p0 $0x1  }
0xca: {  	_ =	swait.ge @!p0 [sflag:s0], s1  }
0xcb: {  	s1 =	ssub.s32 @!p0 $0x0, s1;
	[sflag:s0] =	ssyncset.done @!p0 $0x0  }
0xcc: {  	[sflag:s0] =	ssyncadd.s32 @!p0 s1  }
0xcd: {  	[bflag:$0x3] =	sbarrier.arrive $0xFFFF  }
0xce: {  	_ =	shalt  }

</sc_bundles>
